<compile_context>
chip_gen: v7x
topology: tpu7x:2x2x1
jax: 0.10.2.dev20260603
libtpu: 0.0.44.dev20260713+nightly
codegen_flags: <defaults>
</compile_context>

<pallas_src>
import functools

import jax
import jax.numpy as jnp
from jax import lax
from jax.experimental import pallas as pl
from jax.experimental.pallas import tpu as pltpu
from jax.experimental.pallas import tpu_sc as plsc

N_BATCH = 16
N_CODES = 1024
DIM = 64
N_PIX = 1024
BLK_P = 512
NB = 8
C_Q = 16
LANES = 16
CHUNK = 256


def _dist_body(x_ref, e_ref, ee2_ref, xs2_ref, idx_ref, loss_ref):
    X = x_ref[0]
    xs2 = xs2_ref[0]
    m = None
    idx = None
    for c in range(N_CODES // CHUNK):
        Ec = e_ref[pl.ds(c * CHUNK, CHUNK), :]
        Mc = jax.lax.dot_general(Ec, X, (((1,), (0,)), ((), ())),
                                 preferred_element_type=jnp.float32)
        dc = (xs2 + ee2_ref[pl.ds(c * CHUNK, CHUNK), :]) - 2.0 * Mc
        mc = jnp.min(dc, axis=0, keepdims=True)
        iota = jax.lax.broadcasted_iota(jnp.int32, dc.shape, 0)
        gc = jnp.min(jnp.where(dc == mc, iota, N_CODES), axis=0,
                     keepdims=True) + jnp.int32(c * CHUNK)
        if m is None:
            m, idx = mc, gc
        else:
            idx = jnp.where(mc < m, gc, idx)
            m = jnp.minimum(m, mc)
    idx_ref[0] = idx
    part = jnp.sum(m, axis=1, keepdims=True)

    @pl.when((pl.program_id(0) == 0) & (pl.program_id(1) == 0))
    def _init():
        loss_ref[...] = jnp.zeros_like(loss_ref)

    loss_ref[...] += part


def _dist_body_et(x_ref, e_ref, ee2_ref, xs2_ref, idx_ref, loss_ref, et_ref):
    _dist_body(x_ref, e_ref, ee2_ref, xs2_ref, idx_ref, loss_ref)

    @pl.when((pl.program_id(0) == 0) & (pl.program_id(1) == 0))
    def _init():
        et_ref[...] = e_ref[...].T


def _dist_call(x3, embedding, ee2, xs2, base, nb, with_et):
    grid = (nb, N_PIX // BLK_P)
    out_specs = [
        pl.BlockSpec((1, 1, BLK_P), lambda n, b: (n, 0, b)),
        pl.BlockSpec((1, 1), lambda n, b: (0, 0)),
    ]
    out_shape = [
        jax.ShapeDtypeStruct((nb, 1, N_PIX), jnp.int32),
        jax.ShapeDtypeStruct((1, 1), jnp.float32),
    ]
    if with_et:
        out_specs.append(pl.BlockSpec((DIM, N_CODES), lambda n, b: (0, 0)))
        out_shape.append(jax.ShapeDtypeStruct((DIM, N_CODES), jnp.float32))
    return pl.pallas_call(
        _dist_body_et if with_et else _dist_body,
        grid=grid,
        in_specs=[
            pl.BlockSpec((1, DIM, BLK_P), lambda n, b: (n + base, 0, b)),
            pl.BlockSpec((N_CODES, DIM), lambda n, b: (0, 0)),
            pl.BlockSpec((N_CODES, 1), lambda n, b: (0, 0)),
            pl.BlockSpec((1, 1, BLK_P), lambda n, b: (n + base, 0, b)),
        ],
        out_specs=out_specs,
        out_shape=out_shape,
    )(x3, embedding, ee2, xs2)


_sc_mesh = plsc.VectorSubcoreMesh(core_axis_name="c", subcore_axis_name="s")


def _make_sc_gather(nb):
    tiles_per_batch = 32 // nb
    cq = DIM // tiles_per_batch

    @functools.partial(
        pl.kernel,
        out_type=jax.ShapeDtypeStruct((nb, DIM, N_PIX), jnp.float32),
        mesh=_sc_mesh,
        scratch_types=[
            pltpu.VMEM((N_PIX,), jnp.int32),
            pltpu.VMEM((cq, N_CODES), jnp.float32),
            pltpu.VMEM((cq, N_PIX), jnp.float32),
        ],
        compiler_params=pltpu.CompilerParams(needs_layout_passes=False),
    )
    def _sc_gather(et_hbm, idx_hbm, out_hbm, idx_v, es_v, out_v):
        wid = lax.axis_index("s") * 2 + lax.axis_index("c")
        n = wid // tiles_per_batch
        c0 = (wid % tiles_per_batch) * cq
        pltpu.sync_copy(et_hbm.at[pl.ds(c0, cq), :], es_v)
        pltpu.sync_copy(idx_hbm.at[n, 0, :], idx_v)

        def body(g, carry):
            base = pl.multiple_of(g * LANES, LANES)
            idxg = idx_v[pl.ds(base, LANES)]
            for cc in range(cq):
                out_v[cc, pl.ds(base, LANES)] = plsc.load_gather(
                    es_v, [jnp.full((LANES,), cc, jnp.int32), idxg])
            return carry

        lax.fori_loop(0, N_PIX // LANES, body, 0)
        pltpu.sync_copy(out_v, out_hbm.at[n, pl.ds(c0, cq), :])

    return _sc_gather


_sc_gather_8 = _make_sc_gather(8)
_sc_gather_4 = _make_sc_gather(4)


@jax.jit
def kernel(inputs, embedding):
    x3 = inputs.reshape(N_BATCH, DIM, N_PIX)
    ee2 = jnp.sum(embedding ** 2, axis=1).reshape(N_CODES, 1)
    xs2 = jnp.sum(jnp.transpose(inputs, (0, 2, 3, 1)).reshape(-1, DIM) ** 2,
                  axis=1).reshape(N_BATCH, 1, N_PIX)

    idx_a, loss_a, et = _dist_call(x3, embedding, ee2, xs2, 0, 8, True)
    idx_b, loss_b = _dist_call(x3, embedding, ee2, xs2, 8, 4, False)
    idx_c, loss_c = _dist_call(x3, embedding, ee2, xs2, 12, 4, False)
    q_a = _sc_gather_8(et, idx_a).reshape(8, DIM, 32, 32)
    q_b = _sc_gather_4(et, idx_b).reshape(4, DIM, 32, 32)
    q_c = _sc_gather_4(et, idx_c).reshape(4, DIM, 32, 32)

    n_elems = N_BATCH * DIM * N_PIX
    loss = (1.25 / n_elems) * (loss_a[0, 0] + loss_b[0, 0] + loss_c[0, 0])
    q = jnp.concatenate([q_a, q_b, q_c], axis=0)
    return loss, q

# --- scband reference (transcript-rebuilt; emitter-appended) ---
"""Pipeline reference for scband-vector-quantizer-30339648979547 (READ-ONLY COPY).

The authoritative reference and input builder live on the scoring server;
editing this copy changes nothing except your own understanding.
"""

import jax, jax.numpy as jnp
import numpy as np

NUM_EMBEDDINGS = 1024
EMBEDDING_DIM = 64
BETA = 0.25


def setup_inputs(seed: int = 0) -> dict:
    key = jax.random.key(seed)
    k1, k2 = jax.random.split(key)
    inputs = jax.random.normal(k1, (16, 64, 32, 32), dtype=jnp.float32)
    embedding = jax.random.uniform(
        k2, (NUM_EMBEDDINGS, EMBEDDING_DIM), dtype=jnp.float32,
        minval=-1.0 / NUM_EMBEDDINGS, maxval=1.0 / NUM_EMBEDDINGS)
    return {"inputs": inputs, "embedding": embedding}


def reference(inputs, embedding):
    # permute NCHW -> NHWC
    x_nhwc = jnp.transpose(inputs, (0, 2, 3, 1))
    input_shape = x_nhwc.shape
    x = x_nhwc.reshape(-1, EMBEDDING_DIM)
    # squared L2 distances to codebook entries
    dist = (jnp.sum(x ** 2, axis=1, keepdims=True)
            + jnp.sum(embedding ** 2, axis=1)
            - 2.0 * jnp.matmul(x, embedding.T))
    codebook_indices = jnp.argmin(dist, axis=1)
    quantized = jnp.take(embedding, codebook_indices, axis=0)
    quantized = quantized.reshape(input_shape)
    e_latent_loss = BETA * jnp.mean((jax.lax.stop_gradient(quantized) - x_nhwc) ** 2)
    q_latent_loss = jnp.mean((quantized - jax.lax.stop_gradient(x_nhwc)) ** 2)
    loss = e_latent_loss + q_latent_loss
    # straight-through estimator
    quantized = x_nhwc + jax.lax.stop_gradient(quantized - x_nhwc)
    return loss, jnp.transpose(quantized, (0, 3, 1, 2))

if __name__ == "__main__":
    import jax
    _d = setup_inputs()
    print(jax.jit(kernel)(*tuple(_d.values())))

</pallas_src>

<mosaic_0001>
#map = affine_map<(d0, d1) -> (0, 0)>
#map1 = affine_map<(d0, d1) -> (0, 0, 0)>
module attributes {stable_mosaic.version = 14 : i64} {
  func.func @_sc_gather(%arg0: i32, %arg1: i32, %arg2: memref<64x1024xf32, #tpu.memory_space<hbm>>, %arg3: memref<4x1x1024xi32, #tpu.memory_space<hbm>>, %arg4: memref<4x64x1024xf32, #tpu.memory_space<hbm>>, %arg5: memref<1024xi32, #tpu.memory_space<vmem>>, %arg6: memref<8x1024xf32, #tpu.memory_space<vmem>>, %arg7: memref<8x1024xf32, #tpu.memory_space<vmem>>) attributes {dimension_semantics = [#tpu.dimension_semantics<core_parallel>, #tpu.dimension_semantics<subcore_parallel>], iteration_bounds = array<i64: 2, 16>, scalar_prefetch = 0 : i64, scratch_operands = 3 : i64, tpu.core_type = #tpu.core_type<sc_vector_subcore>, window_params = [{transform_indices = #map}, {transform_indices = #map1}, {transform_indices = #map1}]} {
    %mul3A = arith.constant 2 : i32
    %mul3A_0 = arith.muli %arg1, %mul3A : i32
    %add3A = arith.addi %mul3A_0, %arg0 : i32
    %jit3A = arith.constant 8 : i32
    %div3A = arith.divsi %add3A, %jit3A : i32
    %sign3A = arith.constant 0 : i32
    %sign3A_1 = arith.cmpi sgt, %add3A, %sign3A : i32
    %sign3A_2 = arith.extui %sign3A_1 : i1 to i32
    %sign3A_3 = arith.constant 0 : i32
    %sign3A_4 = arith.cmpi slt, %add3A, %sign3A_3 : i32
    %sign3A_5 = arith.extui %sign3A_4 : i1 to i32
    %sign3A_6 = arith.subi %sign3A_2, %sign3A_5 : i32
    %sign3A_7 = arith.constant 0 : i32
    %sign3A_8 = arith.cmpi sgt, %jit3A, %sign3A_7 : i32
    %sign3A_9 = arith.extui %sign3A_8 : i1 to i32
    %sign3A_10 = arith.constant 0 : i32
    %sign3A_11 = arith.cmpi slt, %jit3A, %sign3A_10 : i32
    %sign3A_12 = arith.extui %sign3A_11 : i1 to i32
    %sign3A_13 = arith.subi %sign3A_9, %sign3A_12 : i32
    %ne3A = arith.cmpi ne, %sign3A_6, %sign3A_13 : i32
    %rem3A = arith.remsi %add3A, %jit3A : i32
    %ne3A_14 = arith.constant 0 : i32
    %ne3A_15 = arith.cmpi ne, %rem3A, %ne3A_14 : i32
    %and3A = arith.andi %ne3A, %ne3A_15 : i1
    %sub3A = arith.constant 1 : i32
    %sub3A_16 = arith.subi %div3A, %sub3A : i32
    %select_n3A = arith.select %and3A, %sub3A_16, %div3A : i32
    %jit3A_17 = arith.constant 8 : i32
    %eq3A = arith.constant 0 : i32
    %eq3A_18 = arith.cmpi eq, %jit3A_17, %eq3A : i32
    %jit3A_19 = arith.constant 1 : i32
    %select_n3A_20 = arith.select %eq3A_18, %jit3A_19, %jit3A_17 : i32
    %rem3A_21 = arith.remsi %add3A, %select_n3A_20 : i32
    %ne3A_22 = arith.constant 0 : i32
    %ne3A_23 = arith.cmpi ne, %rem3A_21, %ne3A_22 : i32
    %lt3A = arith.constant 0 : i32
    %lt3A_24 = arith.cmpi slt, %rem3A_21, %lt3A : i32
    %lt3A_25 = arith.constant 0 : i32
    %lt3A_26 = arith.cmpi slt, %select_n3A_20, %lt3A_25 : i32
    %ne3A_27 = arith.xori %lt3A_24, %lt3A_26 : i1
    %and3A_28 = arith.andi %ne3A_27, %ne3A_23 : i1
    %add3A_29 = arith.addi %rem3A_21, %select_n3A_20 : i32
    %select_n3A_30 = arith.select %and3A_28, %add3A_29, %rem3A_21 : i32
    %mul3A_31 = arith.constant 8 : i32
    %mul3A_32 = arith.muli %select_n3A_30, %mul3A_31 : i32
    "tpu.region"() ({
      %run_scoped3A_38 = tpu.sem_alloc : memref<!tpu.dma_semaphore, #tpu.memory_space<semaphore_mem>>
      %dma_start3A = arith.constant 0 : i32
      %dma_start3A_39 = tpu.memref_slice %arg2[%mul3A_32, %dma_start3A] : memref<64x1024xf32, #tpu.memory_space<hbm>> -> memref<8x1024xf32, #tpu.memory_space<hbm>>
      %dma_start3A_40 = arith.constant 0 : i32
      %dma_start3A_41 = tpu.memref_slice %arg2[%mul3A_32, %dma_start3A_40] : memref<64x1024xf32, #tpu.memory_space<hbm>> -> memref<8x1024xf32, #tpu.memory_space<hbm>>
      tpu.enqueue_dma source(%dma_start3A_41 : memref<8x1024xf32, #tpu.memory_space<hbm>>) target(%arg6 : memref<8x1024xf32, #tpu.memory_space<vmem>>) target_semaphore(%run_scoped3A_38 : memref<!tpu.dma_semaphore, #tpu.memory_space<semaphore_mem>>)
      %dma_wait3A = arith.constant 0 : i32
      %dma_wait3A_42 = tpu.memref_slice %arg2[%mul3A_32, %dma_wait3A] : memref<64x1024xf32, #tpu.memory_space<hbm>> -> memref<8x1024xf32, #tpu.memory_space<hbm>>
      %dma_wait3A_43 = arith.constant 0 : i32
      %dma_wait3A_44 = tpu.memref_slice %arg2[%mul3A_32, %dma_wait3A_43] : memref<64x1024xf32, #tpu.memory_space<hbm>> -> memref<8x1024xf32, #tpu.memory_space<hbm>>
      tpu.wait_dma2 semaphore(%run_scoped3A_38 : memref<!tpu.dma_semaphore, #tpu.memory_space<semaphore_mem>>) src(%dma_wait3A_44 : memref<8x1024xf32, #tpu.memory_space<hbm>>) dst(%arg6 : memref<8x1024xf32, #tpu.memory_space<vmem>>)
      tpu.yield
    }) : () -> ()
    %run_scoped3A = arith.constant 0 : i32
    "tpu.region"() ({
      %run_scoped3A_38 = tpu.sem_alloc : memref<!tpu.dma_semaphore, #tpu.memory_space<semaphore_mem>>
      %dma_start3A = arith.constant 0 : i32
      %dma_start3A_39 = tpu.memref_slice %arg3[%select_n3A, %run_scoped3A, %dma_start3A] : memref<4x1x1024xi32, #tpu.memory_space<hbm>> -> memref<1x1x1024xi32, #tpu.memory_space<hbm>>
      %dma_start3A_40 = tpu.memref_squeeze %dma_start3A_39 : memref<1x1x1024xi32, #tpu.memory_space<hbm>> -> memref<1024xi32, #tpu.memory_space<hbm>>
      %dma_start3A_41 = arith.constant 0 : i32
      %dma_start3A_42 = tpu.memref_slice %arg3[%select_n3A, %run_scoped3A, %dma_start3A_41] : memref<4x1x1024xi32, #tpu.memory_space<hbm>> -> memref<1x1x1024xi32, #tpu.memory_space<hbm>>
      %dma_start3A_43 = tpu.memref_squeeze %dma_start3A_42 : memref<1x1x1024xi32, #tpu.memory_space<hbm>> -> memref<1024xi32, #tpu.memory_space<hbm>>
      tpu.enqueue_dma source(%dma_start3A_43 : memref<1024xi32, #tpu.memory_space<hbm>>) target(%arg5 : memref<1024xi32, #tpu.memory_space<vmem>>) target_semaphore(%run_scoped3A_38 : memref<!tpu.dma_semaphore, #tpu.memory_space<semaphore_mem>>)
      %dma_wait3A = arith.constant 0 : i32
      %dma_wait3A_44 = tpu.memref_slice %arg3[%select_n3A, %run_scoped3A, %dma_wait3A] : memref<4x1x1024xi32, #tpu.memory_space<hbm>> -> memref<1x1x1024xi32, #tpu.memory_space<hbm>>
      %dma_wait3A_45 = tpu.memref_squeeze %dma_wait3A_44 : memref<1x1x1024xi32, #tpu.memory_space<hbm>> -> memref<1024xi32, #tpu.memory_space<hbm>>
      %dma_wait3A_46 = arith.constant 0 : i32
      %dma_wait3A_47 = tpu.memref_slice %arg3[%select_n3A, %run_scoped3A, %dma_wait3A_46] : memref<4x1x1024xi32, #tpu.memory_space<hbm>> -> memref<1x1x1024xi32, #tpu.memory_space<hbm>>
      %dma_wait3A_48 = tpu.memref_squeeze %dma_wait3A_47 : memref<1x1x1024xi32, #tpu.memory_space<hbm>> -> memref<1024xi32, #tpu.memory_space<hbm>>
      tpu.wait_dma2 semaphore(%run_scoped3A_38 : memref<!tpu.dma_semaphore, #tpu.memory_space<semaphore_mem>>) src(%dma_wait3A_48 : memref<1024xi32, #tpu.memory_space<hbm>>) dst(%arg5 : memref<1024xi32, #tpu.memory_space<vmem>>)
      tpu.yield
    }) : () -> ()
    %scan3A = arith.constant 0 : i32
    %scan3A_33 = arith.constant 0 : i32
    %scan3A_34 = arith.constant 64 : i32
    %scan3A_35 = arith.addi %scan3A_33, %scan3A_34 : i32
    %scan3A_36 = arith.constant 1 : i32
    scf.for %scan3A_38 = %scan3A_33 to %scan3A_35 step %scan3A_36  : i32 {
      %mul3A_39 = arith.constant 16 : i32
      %mul3A_40 = arith.muli %scan3A_38, %mul3A_39 : i32
      %multiple_of3A = tpu.assume_multiple %mul3A_40, 16 : i32
      %get3A = arith.index_cast %multiple_of3A : i32 to index
      %get3A_41 = tpu.vector_load %arg5[%get3A] {strides = array<i32>} : memref<1024xi32, #tpu.memory_space<vmem>>, vector<16xi32>,
      %broadcast_in_dim3A = arith.constant 0 : i32
      %broadcast_in_dim3A_42 = vector.broadcast %broadcast_in_dim3A : i32 to vector<16xi32>
      %gather3A = tpu.vector_load_idx %arg6[%broadcast_in_dim3A_42, %get3A_41] : memref<8x1024xf32, #tpu.memory_space<vmem>>[vector<16xi32>, vector<16xi32>], vector<16xf32>,
      %swap3A = arith.constant 0 : i32
      %swap3A_43 = arith.index_cast %swap3A : i32 to index
      %swap3A_44 = arith.index_cast %multiple_of3A : i32 to index
      %swap3A_45 = tpu.vector_load %arg7[%swap3A_43, %swap3A_44] {strides = array<i32>} : memref<8x1024xf32, #tpu.memory_space<vmem>>, vector<16xf32>,
      tpu.vector_store %arg7[%swap3A_43, %swap3A_44], %gather3A {strides = array<i32>} : memref<8x1024xf32, #tpu.memory_space<vmem>>, vector<16xf32>,
      %broadcast_in_dim3A_46 = arith.constant 1 : i32
      %broadcast_in_dim3A_47 = vector.broadcast %broadcast_in_dim3A_46 : i32 to vector<16xi32>
      %gather3A_48 = tpu.vector_load_idx %arg6[%broadcast_in_dim3A_47, %get3A_41] : memref<8x1024xf32, #tpu.memory_space<vmem>>[vector<16xi32>, vector<16xi32>], vector<16xf32>,
      %swap3A_49 = arith.constant 1 : i32
      %swap3A_50 = arith.index_cast %swap3A_49 : i32 to index
      %swap3A_51 = arith.index_cast %multiple_of3A : i32 to index
      %swap3A_52 = tpu.vector_load %arg7[%swap3A_50, %swap3A_51] {strides = array<i32>} : memref<8x1024xf32, #tpu.memory_space<vmem>>, vector<16xf32>,
      tpu.vector_store %arg7[%swap3A_50, %swap3A_51], %gather3A_48 {strides = array<i32>} : memref<8x1024xf32, #tpu.memory_space<vmem>>, vector<16xf32>,
      %broadcast_in_dim3A_53 = arith.constant 2 : i32
      %broadcast_in_dim3A_54 = vector.broadcast %broadcast_in_dim3A_53 : i32 to vector<16xi32>
      %gather3A_55 = tpu.vector_load_idx %arg6[%broadcast_in_dim3A_54, %get3A_41] : memref<8x1024xf32, #tpu.memory_space<vmem>>[vector<16xi32>, vector<16xi32>], vector<16xf32>,
      %swap3A_56 = arith.constant 2 : i32
      %swap3A_57 = arith.index_cast %swap3A_56 : i32 to index
      %swap3A_58 = arith.index_cast %multiple_of3A : i32 to index
      %swap3A_59 = tpu.vector_load %arg7[%swap3A_57, %swap3A_58] {strides = array<i32>} : memref<8x1024xf32, #tpu.memory_space<vmem>>, vector<16xf32>,
      tpu.vector_store %arg7[%swap3A_57, %swap3A_58], %gather3A_55 {strides = array<i32>} : memref<8x1024xf32, #tpu.memory_space<vmem>>, vector<16xf32>,
      %broadcast_in_dim3A_60 = arith.constant 3 : i32
      %broadcast_in_dim3A_61 = vector.broadcast %broadcast_in_dim3A_60 : i32 to vector<16xi32>
      %gather3A_62 = tpu.vector_load_idx %arg6[%broadcast_in_dim3A_61, %get3A_41] : memref<8x1024xf32, #tpu.memory_space<vmem>>[vector<16xi32>, vector<16xi32>], vector<16xf32>,
      %swap3A_63 = arith.constant 3 : i32
      %swap3A_64 = arith.index_cast %swap3A_63 : i32 to index
      %swap3A_65 = arith.index_cast %multiple_of3A : i32 to index
      %swap3A_66 = tpu.vector_load %arg7[%swap3A_64, %swap3A_65] {strides = array<i32>} : memref<8x1024xf32, #tpu.memory_space<vmem>>, vector<16xf32>,
      tpu.vector_store %arg7[%swap3A_64, %swap3A_65], %gather3A_62 {strides = array<i32>} : memref<8x1024xf32, #tpu.memory_space<vmem>>, vector<16xf32>,
      %broadcast_in_dim3A_67 = arith.constant 4 : i32
      %broadcast_in_dim3A_68 = vector.broadcast %broadcast_in_dim3A_67 : i32 to vector<16xi32>
      %gather3A_69 = tpu.vector_load_idx %arg6[%broadcast_in_dim3A_68, %get3A_41] : memref<8x1024xf32, #tpu.memory_space<vmem>>[vector<16xi32>, vector<16xi32>], vector<16xf32>,
      %swap3A_70 = arith.constant 4 : i32
      %swap3A_71 = arith.index_cast %swap3A_70 : i32 to index
      %swap3A_72 = arith.index_cast %multiple_of3A : i32 to index
      %swap3A_73 = tpu.vector_load %arg7[%swap3A_71, %swap3A_72] {strides = array<i32>} : memref<8x1024xf32, #tpu.memory_space<vmem>>, vector<16xf32>,
      tpu.vector_store %arg7[%swap3A_71, %swap3A_72], %gather3A_69 {strides = array<i32>} : memref<8x1024xf32, #tpu.memory_space<vmem>>, vector<16xf32>,
      %broadcast_in_dim3A_74 = arith.constant 5 : i32
      %broadcast_in_dim3A_75 = vector.broadcast %broadcast_in_dim3A_74 : i32 to vector<16xi32>
      %gather3A_76 = tpu.vector_load_idx %arg6[%broadcast_in_dim3A_75, %get3A_41] : memref<8x1024xf32, #tpu.memory_space<vmem>>[vector<16xi32>, vector<16xi32>], vector<16xf32>,
      %swap3A_77 = arith.constant 5 : i32
      %swap3A_78 = arith.index_cast %swap3A_77 : i32 to index
      %swap3A_79 = arith.index_cast %multiple_of3A : i32 to index
      %swap3A_80 = tpu.vector_load %arg7[%swap3A_78, %swap3A_79] {strides = array<i32>} : memref<8x1024xf32, #tpu.memory_space<vmem>>, vector<16xf32>,
      tpu.vector_store %arg7[%swap3A_78, %swap3A_79], %gather3A_76 {strides = array<i32>} : memref<8x1024xf32, #tpu.memory_space<vmem>>, vector<16xf32>,
      %broadcast_in_dim3A_81 = arith.constant 6 : i32
      %broadcast_in_dim3A_82 = vector.broadcast %broadcast_in_dim3A_81 : i32 to vector<16xi32>
      %gather3A_83 = tpu.vector_load_idx %arg6[%broadcast_in_dim3A_82, %get3A_41] : memref<8x1024xf32, #tpu.memory_space<vmem>>[vector<16xi32>, vector<16xi32>], vector<16xf32>,
      %swap3A_84 = arith.constant 6 : i32
      %swap3A_85 = arith.index_cast %swap3A_84 : i32 to index
      %swap3A_86 = arith.index_cast %multiple_of3A : i32 to index
      %swap3A_87 = tpu.vector_load %arg7[%swap3A_85, %swap3A_86] {strides = array<i32>} : memref<8x1024xf32, #tpu.memory_space<vmem>>, vector<16xf32>,
      tpu.vector_store %arg7[%swap3A_85, %swap3A_86], %gather3A_83 {strides = array<i32>} : memref<8x1024xf32, #tpu.memory_space<vmem>>, vector<16xf32>,
      %broadcast_in_dim3A_88 = arith.constant 7 : i32
      %broadcast_in_dim3A_89 = vector.broadcast %broadcast_in_dim3A_88 : i32 to vector<16xi32>
      %gather3A_90 = tpu.vector_load_idx %arg6[%broadcast_in_dim3A_89, %get3A_41] : memref<8x1024xf32, #tpu.memory_space<vmem>>[vector<16xi32>, vector<16xi32>], vector<16xf32>,
      %swap3A_91 = arith.constant 7 : i32
      %swap3A_92 = arith.index_cast %swap3A_91 : i32 to index
      %swap3A_93 = arith.index_cast %multiple_of3A : i32 to index
      %swap3A_94 = tpu.vector_load %arg7[%swap3A_92, %swap3A_93] {strides = array<i32>} : memref<8x1024xf32, #tpu.memory_space<vmem>>, vector<16xf32>,
      tpu.vector_store %arg7[%swap3A_92, %swap3A_93], %gather3A_90 {strides = array<i32>} : memref<8x1024xf32, #tpu.memory_space<vmem>>, vector<16xf32>,
    }
    %scan3A_37 = arith.constant 64 : i32
    "tpu.region"() ({
      %run_scoped3A_38 = tpu.sem_alloc : memref<!tpu.dma_semaphore, #tpu.memory_space<semaphore_mem>>
      %dma_start3A = arith.constant 0 : i32
      %dma_start3A_39 = tpu.memref_slice %arg4[%select_n3A, %mul3A_32, %dma_start3A] : memref<4x64x1024xf32, #tpu.memory_space<hbm>> -> memref<1x8x1024xf32, #tpu.memory_space<hbm>>
      %dma_start3A_40 = tpu.memref_squeeze %dma_start3A_39 : memref<1x8x1024xf32, #tpu.memory_space<hbm>> -> memref<8x1024xf32, #tpu.memory_space<hbm>>
      %dma_start3A_41 = arith.constant 0 : i32
      %dma_start3A_42 = tpu.memref_slice %arg4[%select_n3A, %mul3A_32, %dma_start3A_41] : memref<4x64x1024xf32, #tpu.memory_space<hbm>> -> memref<1x8x1024xf32, #tpu.memory_space<hbm>>
      %dma_start3A_43 = tpu.memref_squeeze %dma_start3A_42 : memref<1x8x1024xf32, #tpu.memory_space<hbm>> -> memref<8x1024xf32, #tpu.memory_space<hbm>>
      tpu.enqueue_dma source(%arg7 : memref<8x1024xf32, #tpu.memory_space<vmem>>) target(%dma_start3A_43 : memref<8x1024xf32, #tpu.memory_space<hbm>>) target_semaphore(%run_scoped3A_38 : memref<!tpu.dma_semaphore, #tpu.memory_space<semaphore_mem>>)
      %dma_wait3A = arith.constant 0 : i32
      %dma_wait3A_44 = tpu.memref_slice %arg4[%select_n3A, %mul3A_32, %dma_wait3A] : memref<4x64x1024xf32, #tpu.memory_space<hbm>> -> memref<1x8x1024xf32, #tpu.memory_space<hbm>>
      %dma_wait3A_45 = tpu.memref_squeeze %dma_wait3A_44 : memref<1x8x1024xf32, #tpu.memory_space<hbm>> -> memref<8x1024xf32, #tpu.memory_space<hbm>>
      %dma_wait3A_46 = arith.constant 0 : i32
      %dma_wait3A_47 = tpu.memref_slice %arg4[%select_n3A, %mul3A_32, %dma_wait3A_46] : memref<4x64x1024xf32, #tpu.memory_space<hbm>> -> memref<1x8x1024xf32, #tpu.memory_space<hbm>>
      %dma_wait3A_48 = tpu.memref_squeeze %dma_wait3A_47 : memref<1x8x1024xf32, #tpu.memory_space<hbm>> -> memref<8x1024xf32, #tpu.memory_space<hbm>>
      tpu.wait_dma2 semaphore(%run_scoped3A_38 : memref<!tpu.dma_semaphore, #tpu.memory_space<semaphore_mem>>) src(%arg7 : memref<8x1024xf32, #tpu.memory_space<vmem>>) dst(%dma_wait3A_48 : memref<8x1024xf32, #tpu.memory_space<hbm>>)
      tpu.yield
    }) : () -> ()
    return
  }
}

#map = affine_map<(d0, d1) -> (0, 0)>
#map1 = affine_map<(d0, d1) -> (0, 0, 0)>
module attributes {stable_mosaic.version = 14 : i64} {
  func.func @_sc_gather(%arg0: i32, %arg1: i32, %arg2: memref<64x1024xf32, #tpu.memory_space<hbm>>, %arg3: memref<8x1x1024xi32, #tpu.memory_space<hbm>>, %arg4: memref<8x64x1024xf32, #tpu.memory_space<hbm>>, %arg5: memref<1024xi32, #tpu.memory_space<vmem>>, %arg6: memref<16x1024xf32, #tpu.memory_space<vmem>>, %arg7: memref<16x1024xf32, #tpu.memory_space<vmem>>) attributes {dimension_semantics = [#tpu.dimension_semantics<core_parallel>, #tpu.dimension_semantics<subcore_parallel>], iteration_bounds = array<i64: 2, 16>, scalar_prefetch = 0 : i64, scratch_operands = 3 : i64, tpu.core_type = #tpu.core_type<sc_vector_subcore>, window_params = [{transform_indices = #map}, {transform_indices = #map1}, {transform_indices = #map1}]} {
    %mul3A = arith.constant 2 : i32
    %mul3A_0 = arith.muli %arg1, %mul3A : i32
    %add3A = arith.addi %mul3A_0, %arg0 : i32
    %jit3A = arith.constant 4 : i32
    %div3A = arith.divsi %add3A, %jit3A : i32
    %sign3A = arith.constant 0 : i32
    %sign3A_1 = arith.cmpi sgt, %add3A, %sign3A : i32
    %sign3A_2 = arith.extui %sign3A_1 : i1 to i32
    %sign3A_3 = arith.constant 0 : i32
    %sign3A_4 = arith.cmpi slt, %add3A, %sign3A_3 : i32
    %sign3A_5 = arith.extui %sign3A_4 : i1 to i32
    %sign3A_6 = arith.subi %sign3A_2, %sign3A_5 : i32
    %sign3A_7 = arith.constant 0 : i32
    %sign3A_8 = arith.cmpi sgt, %jit3A, %sign3A_7 : i32
    %sign3A_9 = arith.extui %sign3A_8 : i1 to i32
    %sign3A_10 = arith.constant 0 : i32
    %sign3A_11 = arith.cmpi slt, %jit3A, %sign3A_10 : i32
    %sign3A_12 = arith.extui %sign3A_11 : i1 to i32
    %sign3A_13 = arith.subi %sign3A_9, %sign3A_12 : i32
    %ne3A = arith.cmpi ne, %sign3A_6, %sign3A_13 : i32
    %rem3A = arith.remsi %add3A, %jit3A : i32
    %ne3A_14 = arith.constant 0 : i32
    %ne3A_15 = arith.cmpi ne, %rem3A, %ne3A_14 : i32
    %and3A = arith.andi %ne3A, %ne3A_15 : i1
    %sub3A = arith.constant 1 : i32
    %sub3A_16 = arith.subi %div3A, %sub3A : i32
    %select_n3A = arith.select %and3A, %sub3A_16, %div3A : i32
    %jit3A_17 = arith.constant 4 : i32
    %eq3A = arith.constant 0 : i32
    %eq3A_18 = arith.cmpi eq, %jit3A_17, %eq3A : i32
    %jit3A_19 = arith.constant 1 : i32
    %select_n3A_20 = arith.select %eq3A_18, %jit3A_19, %jit3A_17 : i32
    %rem3A_21 = arith.remsi %add3A, %select_n3A_20 : i32
    %ne3A_22 = arith.constant 0 : i32
    %ne3A_23 = arith.cmpi ne, %rem3A_21, %ne3A_22 : i32
    %lt3A = arith.constant 0 : i32
    %lt3A_24 = arith.cmpi slt, %rem3A_21, %lt3A : i32
    %lt3A_25 = arith.constant 0 : i32
    %lt3A_26 = arith.cmpi slt, %select_n3A_20, %lt3A_25 : i32
    %ne3A_27 = arith.xori %lt3A_24, %lt3A_26 : i1
    %and3A_28 = arith.andi %ne3A_27, %ne3A_23 : i1
    %add3A_29 = arith.addi %rem3A_21, %select_n3A_20 : i32
    %select_n3A_30 = arith.select %and3A_28, %add3A_29, %rem3A_21 : i32
    %mul3A_31 = arith.constant 16 : i32
    %mul3A_32 = arith.muli %select_n3A_30, %mul3A_31 : i32
    "tpu.region"() ({
      %run_scoped3A_38 = tpu.sem_alloc : memref<!tpu.dma_semaphore, #tpu.memory_space<semaphore_mem>>
      %dma_start3A = arith.constant 0 : i32
      %dma_start3A_39 = tpu.memref_slice %arg2[%mul3A_32, %dma_start3A] : memref<64x1024xf32, #tpu.memory_space<hbm>> -> memref<16x1024xf32, #tpu.memory_space<hbm>>
      %dma_start3A_40 = arith.constant 0 : i32
      %dma_start3A_41 = tpu.memref_slice %arg2[%mul3A_32, %dma_start3A_40] : memref<64x1024xf32, #tpu.memory_space<hbm>> -> memref<16x1024xf32, #tpu.memory_space<hbm>>
      tpu.enqueue_dma source(%dma_start3A_41 : memref<16x1024xf32, #tpu.memory_space<hbm>>) target(%arg6 : memref<16x1024xf32, #tpu.memory_space<vmem>>) target_semaphore(%run_scoped3A_38 : memref<!tpu.dma_semaphore, #tpu.memory_space<semaphore_mem>>)
      %dma_wait3A = arith.constant 0 : i32
      %dma_wait3A_42 = tpu.memref_slice %arg2[%mul3A_32, %dma_wait3A] : memref<64x1024xf32, #tpu.memory_space<hbm>> -> memref<16x1024xf32, #tpu.memory_space<hbm>>
      %dma_wait3A_43 = arith.constant 0 : i32
      %dma_wait3A_44 = tpu.memref_slice %arg2[%mul3A_32, %dma_wait3A_43] : memref<64x1024xf32, #tpu.memory_space<hbm>> -> memref<16x1024xf32, #tpu.memory_space<hbm>>
      tpu.wait_dma2 semaphore(%run_scoped3A_38 : memref<!tpu.dma_semaphore, #tpu.memory_space<semaphore_mem>>) src(%dma_wait3A_44 : memref<16x1024xf32, #tpu.memory_space<hbm>>) dst(%arg6 : memref<16x1024xf32, #tpu.memory_space<vmem>>)
      tpu.yield
    }) : () -> ()
    %run_scoped3A = arith.constant 0 : i32
    "tpu.region"() ({
      %run_scoped3A_38 = tpu.sem_alloc : memref<!tpu.dma_semaphore, #tpu.memory_space<semaphore_mem>>
      %dma_start3A = arith.constant 0 : i32
      %dma_start3A_39 = tpu.memref_slice %arg3[%select_n3A, %run_scoped3A, %dma_start3A] : memref<8x1x1024xi32, #tpu.memory_space<hbm>> -> memref<1x1x1024xi32, #tpu.memory_space<hbm>>
      %dma_start3A_40 = tpu.memref_squeeze %dma_start3A_39 : memref<1x1x1024xi32, #tpu.memory_space<hbm>> -> memref<1024xi32, #tpu.memory_space<hbm>>
      %dma_start3A_41 = arith.constant 0 : i32
      %dma_start3A_42 = tpu.memref_slice %arg3[%select_n3A, %run_scoped3A, %dma_start3A_41] : memref<8x1x1024xi32, #tpu.memory_space<hbm>> -> memref<1x1x1024xi32, #tpu.memory_space<hbm>>
      %dma_start3A_43 = tpu.memref_squeeze %dma_start3A_42 : memref<1x1x1024xi32, #tpu.memory_space<hbm>> -> memref<1024xi32, #tpu.memory_space<hbm>>
      tpu.enqueue_dma source(%dma_start3A_43 : memref<1024xi32, #tpu.memory_space<hbm>>) target(%arg5 : memref<1024xi32, #tpu.memory_space<vmem>>) target_semaphore(%run_scoped3A_38 : memref<!tpu.dma_semaphore, #tpu.memory_space<semaphore_mem>>)
      %dma_wait3A = arith.constant 0 : i32
      %dma_wait3A_44 = tpu.memref_slice %arg3[%select_n3A, %run_scoped3A, %dma_wait3A] : memref<8x1x1024xi32, #tpu.memory_space<hbm>> -> memref<1x1x1024xi32, #tpu.memory_space<hbm>>
      %dma_wait3A_45 = tpu.memref_squeeze %dma_wait3A_44 : memref<1x1x1024xi32, #tpu.memory_space<hbm>> -> memref<1024xi32, #tpu.memory_space<hbm>>
      %dma_wait3A_46 = arith.constant 0 : i32
      %dma_wait3A_47 = tpu.memref_slice %arg3[%select_n3A, %run_scoped3A, %dma_wait3A_46] : memref<8x1x1024xi32, #tpu.memory_space<hbm>> -> memref<1x1x1024xi32, #tpu.memory_space<hbm>>
      %dma_wait3A_48 = tpu.memref_squeeze %dma_wait3A_47 : memref<1x1x1024xi32, #tpu.memory_space<hbm>> -> memref<1024xi32, #tpu.memory_space<hbm>>
      tpu.wait_dma2 semaphore(%run_scoped3A_38 : memref<!tpu.dma_semaphore, #tpu.memory_space<semaphore_mem>>) src(%dma_wait3A_48 : memref<1024xi32, #tpu.memory_space<hbm>>) dst(%arg5 : memref<1024xi32, #tpu.memory_space<vmem>>)
      tpu.yield
    }) : () -> ()
    %scan3A = arith.constant 0 : i32
    %scan3A_33 = arith.constant 0 : i32
    %scan3A_34 = arith.constant 64 : i32
    %scan3A_35 = arith.addi %scan3A_33, %scan3A_34 : i32
    %scan3A_36 = arith.constant 1 : i32
    scf.for %scan3A_38 = %scan3A_33 to %scan3A_35 step %scan3A_36  : i32 {
      %mul3A_39 = arith.constant 16 : i32
      %mul3A_40 = arith.muli %scan3A_38, %mul3A_39 : i32
      %multiple_of3A = tpu.assume_multiple %mul3A_40, 16 : i32
      %get3A = arith.index_cast %multiple_of3A : i32 to index
      %get3A_41 = tpu.vector_load %arg5[%get3A] {strides = array<i32>} : memref<1024xi32, #tpu.memory_space<vmem>>, vector<16xi32>,
      %broadcast_in_dim3A = arith.constant 0 : i32
      %broadcast_in_dim3A_42 = vector.broadcast %broadcast_in_dim3A : i32 to vector<16xi32>
      %gather3A = tpu.vector_load_idx %arg6[%broadcast_in_dim3A_42, %get3A_41] : memref<16x1024xf32, #tpu.memory_space<vmem>>[vector<16xi32>, vector<16xi32>], vector<16xf32>,
      %swap3A = arith.constant 0 : i32
      %swap3A_43 = arith.index_cast %swap3A : i32 to index
      %swap3A_44 = arith.index_cast %multiple_of3A : i32 to index
      %swap3A_45 = tpu.vector_load %arg7[%swap3A_43, %swap3A_44] {strides = array<i32>} : memref<16x1024xf32, #tpu.memory_space<vmem>>, vector<16xf32>,
      tpu.vector_store %arg7[%swap3A_43, %swap3A_44], %gather3A {strides = array<i32>} : memref<16x1024xf32, #tpu.memory_space<vmem>>, vector<16xf32>,
      %broadcast_in_dim3A_46 = arith.constant 1 : i32
      %broadcast_in_dim3A_47 = vector.broadcast %broadcast_in_dim3A_46 : i32 to vector<16xi32>
      %gather3A_48 = tpu.vector_load_idx %arg6[%broadcast_in_dim3A_47, %get3A_41] : memref<16x1024xf32, #tpu.memory_space<vmem>>[vector<16xi32>, vector<16xi32>], vector<16xf32>,
      %swap3A_49 = arith.constant 1 : i32
      %swap3A_50 = arith.index_cast %swap3A_49 : i32 to index
      %swap3A_51 = arith.index_cast %multiple_of3A : i32 to index
      %swap3A_52 = tpu.vector_load %arg7[%swap3A_50, %swap3A_51] {strides = array<i32>} : memref<16x1024xf32, #tpu.memory_space<vmem>>, vector<16xf32>,
      tpu.vector_store %arg7[%swap3A_50, %swap3A_51], %gather3A_48 {strides = array<i32>} : memref<16x1024xf32, #tpu.memory_space<vmem>>, vector<16xf32>,
      %broadcast_in_dim3A_53 = arith.constant 2 : i32
      %broadcast_in_dim3A_54 = vector.broadcast %broadcast_in_dim3A_53 : i32 to vector<16xi32>
      %gather3A_55 = tpu.vector_load_idx %arg6[%broadcast_in_dim3A_54, %get3A_41] : memref<16x1024xf32, #tpu.memory_space<vmem>>[vector<16xi32>, vector<16xi32>], vector<16xf32>,
      %swap3A_56 = arith.constant 2 : i32
      %swap3A_57 = arith.index_cast %swap3A_56 : i32 to index
      %swap3A_58 = arith.index_cast %multiple_of3A : i32 to index
      %swap3A_59 = tpu.vector_load %arg7[%swap3A_57, %swap3A_58] {strides = array<i32>} : memref<16x1024xf32, #tpu.memory_space<vmem>>, vector<16xf32>,
      tpu.vector_store %arg7[%swap3A_57, %swap3A_58], %gather3A_55 {strides = array<i32>} : memref<16x1024xf32, #tpu.memory_space<vmem>>, vector<16xf32>,
      %broadcast_in_dim3A_60 = arith.constant 3 : i32
      %broadcast_in_dim3A_61 = vector.broadcast %broadcast_in_dim3A_60 : i32 to vector<16xi32>
      %gather3A_62 = tpu.vector_load_idx %arg6[%broadcast_in_dim3A_61, %get3A_41] : memref<16x1024xf32, #tpu.memory_space<vmem>>[vector<16xi32>, vector<16xi32>], vector<16xf32>,
      %swap3A_63 = arith.constant 3 : i32
      %swap3A_64 = arith.index_cast %swap3A_63 : i32 to index
      %swap3A_65 = arith.index_cast %multiple_of3A : i32 to index
      %swap3A_66 = tpu.vector_load %arg7[%swap3A_64, %swap3A_65] {strides = array<i32>} : memref<16x1024xf32, #tpu.memory_space<vmem>>, vector<16xf32>,
      tpu.vector_store %arg7[%swap3A_64, %swap3A_65], %gather3A_62 {strides = array<i32>} : memref<16x1024xf32, #tpu.memory_space<vmem>>, vector<16xf32>,
      %broadcast_in_dim3A_67 = arith.constant 4 : i32
      %broadcast_in_dim3A_68 = vector.broadcast %broadcast_in_dim3A_67 : i32 to vector<16xi32>
      %gather3A_69 = tpu.vector_load_idx %arg6[%broadcast_in_dim3A_68, %get3A_41] : memref<16x1024xf32, #tpu.memory_space<vmem>>[vector<16xi32>, vector<16xi32>], vector<16xf32>,
      %swap3A_70 = arith.constant 4 : i32
      %swap3A_71 = arith.index_cast %swap3A_70 : i32 to index
      %swap3A_72 = arith.index_cast %multiple_of3A : i32 to index
      %swap3A_73 = tpu.vector_load %arg7[%swap3A_71, %swap3A_72] {strides = array<i32>} : memref<16x1024xf32, #tpu.memory_space<vmem>>, vector<16xf32>,
      tpu.vector_store %arg7[%swap3A_71, %swap3A_72], %gather3A_69 {strides = array<i32>} : memref<16x1024xf32, #tpu.memory_space<vmem>>, vector<16xf32>,
      %broadcast_in_dim3A_74 = arith.constant 5 : i32
      %broadcast_in_dim3A_75 = vector.broadcast %broadcast_in_dim3A_74 : i32 to vector<16xi32>
      %gather3A_76 = tpu.vector_load_idx %arg6[%broadcast_in_dim3A_75, %get3A_41] : memref<16x1024xf32, #tpu.memory_space<vmem>>[vector<16xi32>, vector<16xi32>], vector<16xf32>,
      %swap3A_77 = arith.constant 5 : i32
      %swap3A_78 = arith.index_cast %swap3A_77 : i32 to index
      %swap3A_79 = arith.index_cast %multiple_of3A : i32 to index
      %swap3A_80 = tpu.vector_load %arg7[%swap3A_78, %swap3A_79] {strides = array<i32>} : memref<16x1024xf32, #tpu.memory_space<vmem>>, vector<16xf32>,
      tpu.vector_store %arg7[%swap3A_78, %swap3A_79], %gather3A_76 {strides = array<i32>} : memref<16x1024xf32, #tpu.memory_space<vmem>>, vector<16xf32>,
      %broadcast_in_dim3A_81 = arith.constant 6 : i32
      %broadcast_in_dim3A_82 = vector.broadcast %broadcast_in_dim3A_81 : i32 to vector<16xi32>
      %gather3A_83 = tpu.vector_load_idx %arg6[%broadcast_in_dim3A_82, %get3A_41] : memref<16x1024xf32, #tpu.memory_space<vmem>>[vector<16xi32>, vector<16xi32>], vector<16xf32>,
      %swap3A_84 = arith.constant 6 : i32
      %swap3A_85 = arith.index_cast %swap3A_84 : i32 to index
      %swap3A_86 = arith.index_cast %multiple_of3A : i32 to index
      %swap3A_87 = tpu.vector_load %arg7[%swap3A_85, %swap3A_86] {strides = array<i32>} : memref<16x1024xf32, #tpu.memory_space<vmem>>, vector<16xf32>,
      tpu.vector_store %arg7[%swap3A_85, %swap3A_86], %gather3A_83 {strides = array<i32>} : memref<16x1024xf32, #tpu.memory_space<vmem>>, vector<16xf32>,
      %broadcast_in_dim3A_88 = arith.constant 7 : i32
      %broadcast_in_dim3A_89 = vector.broadcast %broadcast_in_dim3A_88 : i32 to vector<16xi32>
      %gather3A_90 = tpu.vector_load_idx %arg6[%broadcast_in_dim3A_89, %get3A_41] : memref<16x1024xf32, #tpu.memory_space<vmem>>[vector<16xi32>, vector<16xi32>], vector<16xf32>,
      %swap3A_91 = arith.constant 7 : i32
      %swap3A_92 = arith.index_cast %swap3A_91 : i32 to index
      %swap3A_93 = arith.index_cast %multiple_of3A : i32 to index
      %swap3A_94 = tpu.vector_load %arg7[%swap3A_92, %swap3A_93] {strides = array<i32>} : memref<16x1024xf32, #tpu.memory_space<vmem>>, vector<16xf32>,
      tpu.vector_store %arg7[%swap3A_92, %swap3A_93], %gather3A_90 {strides = array<i32>} : memref<16x1024xf32, #tpu.memory_space<vmem>>, vector<16xf32>,
      %broadcast_in_dim3A_95 = arith.constant 8 : i32
      %broadcast_in_dim3A_96 = vector.broadcast %broadcast_in_dim3A_95 : i32 to vector<16xi32>
      %gather3A_97 = tpu.vector_load_idx %arg6[%broadcast_in_dim3A_96, %get3A_41] : memref<16x1024xf32, #tpu.memory_space<vmem>>[vector<16xi32>, vector<16xi32>], vector<16xf32>,
      %swap3A_98 = arith.constant 8 : i32
      %swap3A_99 = arith.index_cast %swap3A_98 : i32 to index
      %swap3A_100 = arith.index_cast %multiple_of3A : i32 to index
      %swap3A_101 = tpu.vector_load %arg7[%swap3A_99, %swap3A_100] {strides = array<i32>} : memref<16x1024xf32, #tpu.memory_space<vmem>>, vector<16xf32>,
      tpu.vector_store %arg7[%swap3A_99, %swap3A_100], %gather3A_97 {strides = array<i32>} : memref<16x1024xf32, #tpu.memory_space<vmem>>, vector<16xf32>,
      %broadcast_in_dim3A_102 = arith.constant 9 : i32
      %broadcast_in_dim3A_103 = vector.broadcast %broadcast_in_dim3A_102 : i32 to vector<16xi32>
      %gather3A_104 = tpu.vector_load_idx %arg6[%broadcast_in_dim3A_103, %get3A_41] : memref<16x1024xf32, #tpu.memory_space<vmem>>[vector<16xi32>, vector<16xi32>], vector<16xf32>,
      %swap3A_105 = arith.constant 9 : i32
      %swap3A_106 = arith.index_cast %swap3A_105 : i32 to index
      %swap3A_107 = arith.index_cast %multiple_of3A : i32 to index
      %swap3A_108 = tpu.vector_load %arg7[%swap3A_106, %swap3A_107] {strides = array<i32>} : memref<16x1024xf32, #tpu.memory_space<vmem>>, vector<16xf32>,
      tpu.vector_store %arg7[%swap3A_106, %swap3A_107], %gather3A_104 {strides = array<i32>} : memref<16x1024xf32, #tpu.memory_space<vmem>>, vector<16xf32>,
      %broadcast_in_dim3A_109 = arith.constant 10 : i32
      %broadcast_in_dim3A_110 = vector.broadcast %broadcast_in_dim3A_109 : i32 to vector<16xi32>
      %gather3A_111 = tpu.vector_load_idx %arg6[%broadcast_in_dim3A_110, %get3A_41] : memref<16x1024xf32, #tpu.memory_space<vmem>>[vector<16xi32>, vector<16xi32>], vector<16xf32>,
      %swap3A_112 = arith.constant 10 : i32
      %swap3A_113 = arith.index_cast %swap3A_112 : i32 to index
      %swap3A_114 = arith.index_cast %multiple_of3A : i32 to index
      %swap3A_115 = tpu.vector_load %arg7[%swap3A_113, %swap3A_114] {strides = array<i32>} : memref<16x1024xf32, #tpu.memory_space<vmem>>, vector<16xf32>,
      tpu.vector_store %arg7[%swap3A_113, %swap3A_114], %gather3A_111 {strides = array<i32>} : memref<16x1024xf32, #tpu.memory_space<vmem>>, vector<16xf32>,
      %broadcast_in_dim3A_116 = arith.constant 11 : i32
      %broadcast_in_dim3A_117 = vector.broadcast %broadcast_in_dim3A_116 : i32 to vector<16xi32>
      %gather3A_118 = tpu.vector_load_idx %arg6[%broadcast_in_dim3A_117, %get3A_41] : memref<16x1024xf32, #tpu.memory_space<vmem>>[vector<16xi32>, vector<16xi32>], vector<16xf32>,
      %swap3A_119 = arith.constant 11 : i32
      %swap3A_120 = arith.index_cast %swap3A_119 : i32 to index
      %swap3A_121 = arith.index_cast %multiple_of3A : i32 to index
      %swap3A_122 = tpu.vector_load %arg7[%swap3A_120, %swap3A_121] {strides = array<i32>} : memref<16x1024xf32, #tpu.memory_space<vmem>>, vector<16xf32>,
      tpu.vector_store %arg7[%swap3A_120, %swap3A_121], %gather3A_118 {strides = array<i32>} : memref<16x1024xf32, #tpu.memory_space<vmem>>, vector<16xf32>,
      %broadcast_in_dim3A_123 = arith.constant 12 : i32
      %broadcast_in_dim3A_124 = vector.broadcast %broadcast_in_dim3A_123 : i32 to vector<16xi32>
      %gather3A_125 = tpu.vector_load_idx %arg6[%broadcast_in_dim3A_124, %get3A_41] : memref<16x1024xf32, #tpu.memory_space<vmem>>[vector<16xi32>, vector<16xi32>], vector<16xf32>,
      %swap3A_126 = arith.constant 12 : i32
      %swap3A_127 = arith.index_cast %swap3A_126 : i32 to index
      %swap3A_128 = arith.index_cast %multiple_of3A : i32 to index
      %swap3A_129 = tpu.vector_load %arg7[%swap3A_127, %swap3A_128] {strides = array<i32>} : memref<16x1024xf32, #tpu.memory_space<vmem>>, vector<16xf32>,
      tpu.vector_store %arg7[%swap3A_127, %swap3A_128], %gather3A_125 {strides = array<i32>} : memref<16x1024xf32, #tpu.memory_space<vmem>>, vector<16xf32>,
      %broadcast_in_dim3A_130 = arith.constant 13 : i32
      %broadcast_in_dim3A_131 = vector.broadcast %broadcast_in_dim3A_130 : i32 to vector<16xi32>
      %gather3A_132 = tpu.vector_load_idx %arg6[%broadcast_in_dim3A_131, %get3A_41] : memref<16x1024xf32, #tpu.memory_space<vmem>>[vector<16xi32>, vector<16xi32>], vector<16xf32>,
      %swap3A_133 = arith.constant 13 : i32
      %swap3A_134 = arith.index_cast %swap3A_133 : i32 to index
      %swap3A_135 = arith.index_cast %multiple_of3A : i32 to index
      %swap3A_136 = tpu.vector_load %arg7[%swap3A_134, %swap3A_135] {strides = array<i32>} : memref<16x1024xf32, #tpu.memory_space<vmem>>, vector<16xf32>,
      tpu.vector_store %arg7[%swap3A_134, %swap3A_135], %gather3A_132 {strides = array<i32>} : memref<16x1024xf32, #tpu.memory_space<vmem>>, vector<16xf32>,
      %broadcast_in_dim3A_137 = arith.constant 14 : i32
      %broadcast_in_dim3A_138 = vector.broadcast %broadcast_in_dim3A_137 : i32 to vector<16xi32>
      %gather3A_139 = tpu.vector_load_idx %arg6[%broadcast_in_dim3A_138, %get3A_41] : memref<16x1024xf32, #tpu.memory_space<vmem>>[vector<16xi32>, vector<16xi32>], vector<16xf32>,
      %swap3A_140 = arith.constant 14 : i32
      %swap3A_141 = arith.index_cast %swap3A_140 : i32 to index
      %swap3A_142 = arith.index_cast %multiple_of3A : i32 to index
      %swap3A_143 = tpu.vector_load %arg7[%swap3A_141, %swap3A_142] {strides = array<i32>} : memref<16x1024xf32, #tpu.memory_space<vmem>>, vector<16xf32>,
      tpu.vector_store %arg7[%swap3A_141, %swap3A_142], %gather3A_139 {strides = array<i32>} : memref<16x1024xf32, #tpu.memory_space<vmem>>, vector<16xf32>,
      %broadcast_in_dim3A_144 = arith.constant 15 : i32
      %broadcast_in_dim3A_145 = vector.broadcast %broadcast_in_dim3A_144 : i32 to vector<16xi32>
      %gather3A_146 = tpu.vector_load_idx %arg6[%broadcast_in_dim3A_145, %get3A_41] : memref<16x1024xf32, #tpu.memory_space<vmem>>[vector<16xi32>, vector<16xi32>], vector<16xf32>,
      %swap3A_147 = arith.constant 15 : i32
      %swap3A_148 = arith.index_cast %swap3A_147 : i32 to index
      %swap3A_149 = arith.index_cast %multiple_of3A : i32 to index
      %swap3A_150 = tpu.vector_load %arg7[%swap3A_148, %swap3A_149] {strides = array<i32>} : memref<16x1024xf32, #tpu.memory_space<vmem>>, vector<16xf32>,
      tpu.vector_store %arg7[%swap3A_148, %swap3A_149], %gather3A_146 {strides = array<i32>} : memref<16x1024xf32, #tpu.memory_space<vmem>>, vector<16xf32>,
    }
    %scan3A_37 = arith.constant 64 : i32
    "tpu.region"() ({
      %run_scoped3A_38 = tpu.sem_alloc : memref<!tpu.dma_semaphore, #tpu.memory_space<semaphore_mem>>
      %dma_start3A = arith.constant 0 : i32
      %dma_start3A_39 = tpu.memref_slice %arg4[%select_n3A, %mul3A_32, %dma_start3A] : memref<8x64x1024xf32, #tpu.memory_space<hbm>> -> memref<1x16x1024xf32, #tpu.memory_space<hbm>>
      %dma_start3A_40 = tpu.memref_squeeze %dma_start3A_39 : memref<1x16x1024xf32, #tpu.memory_space<hbm>> -> memref<16x1024xf32, #tpu.memory_space<hbm>>
      %dma_start3A_41 = arith.constant 0 : i32
      %dma_start3A_42 = tpu.memref_slice %arg4[%select_n3A, %mul3A_32, %dma_start3A_41] : memref<8x64x1024xf32, #tpu.memory_space<hbm>> -> memref<1x16x1024xf32, #tpu.memory_space<hbm>>
      %dma_start3A_43 = tpu.memref_squeeze %dma_start3A_42 : memref<1x16x1024xf32, #tpu.memory_space<hbm>> -> memref<16x1024xf32, #tpu.memory_space<hbm>>
      tpu.enqueue_dma source(%arg7 : memref<16x1024xf32, #tpu.memory_space<vmem>>) target(%dma_start3A_43 : memref<16x1024xf32, #tpu.memory_space<hbm>>) target_semaphore(%run_scoped3A_38 : memref<!tpu.dma_semaphore, #tpu.memory_space<semaphore_mem>>)
      %dma_wait3A = arith.constant 0 : i32
      %dma_wait3A_44 = tpu.memref_slice %arg4[%select_n3A, %mul3A_32, %dma_wait3A] : memref<8x64x1024xf32, #tpu.memory_space<hbm>> -> memref<1x16x1024xf32, #tpu.memory_space<hbm>>
      %dma_wait3A_45 = tpu.memref_squeeze %dma_wait3A_44 : memref<1x16x1024xf32, #tpu.memory_space<hbm>> -> memref<16x1024xf32, #tpu.memory_space<hbm>>
      %dma_wait3A_46 = arith.constant 0 : i32
      %dma_wait3A_47 = tpu.memref_slice %arg4[%select_n3A, %mul3A_32, %dma_wait3A_46] : memref<8x64x1024xf32, #tpu.memory_space<hbm>> -> memref<1x16x1024xf32, #tpu.memory_space<hbm>>
      %dma_wait3A_48 = tpu.memref_squeeze %dma_wait3A_47 : memref<1x16x1024xf32, #tpu.memory_space<hbm>> -> memref<16x1024xf32, #tpu.memory_space<hbm>>
      tpu.wait_dma2 semaphore(%run_scoped3A_38 : memref<!tpu.dma_semaphore, #tpu.memory_space<semaphore_mem>>) src(%arg7 : memref<16x1024xf32, #tpu.memory_space<vmem>>) dst(%dma_wait3A_48 : memref<16x1024xf32, #tpu.memory_space<hbm>>)
      tpu.yield
    }) : () -> ()
    return
  }
}

#map = affine_map<(d0, d1) -> (0, 0)>
#map1 = affine_map<(d0, d1) -> (0, 0, 0)>
module attributes {stable_mosaic.version = 14 : i64} {
  func.func @_sc_gather(%arg0: i32, %arg1: i32, %arg2: memref<64x1024xf32, #tpu.memory_space<hbm>>, %arg3: memref<4x1x1024xi32, #tpu.memory_space<hbm>>, %arg4: memref<4x64x1024xf32, #tpu.memory_space<hbm>>, %arg5: memref<1024xi32, #tpu.memory_space<vmem>>, %arg6: memref<8x1024xf32, #tpu.memory_space<vmem>>, %arg7: memref<8x1024xf32, #tpu.memory_space<vmem>>) attributes {dimension_semantics = [#tpu.dimension_semantics<core_parallel>, #tpu.dimension_semantics<subcore_parallel>], iteration_bounds = array<i64: 2, 16>, scalar_prefetch = 0 : i64, scratch_operands = 3 : i64, tpu.core_type = #tpu.core_type<sc_vector_subcore>, window_params = [{transform_indices = #map}, {transform_indices = #map1}, {transform_indices = #map1}]} {
    %mul3A = arith.constant 2 : i32
    %mul3A_0 = arith.muli %arg1, %mul3A : i32
    %add3A = arith.addi %mul3A_0, %arg0 : i32
    %jit3A = arith.constant 8 : i32
    %div3A = arith.divsi %add3A, %jit3A : i32
    %sign3A = arith.constant 0 : i32
    %sign3A_1 = arith.cmpi sgt, %add3A, %sign3A : i32
    %sign3A_2 = arith.extui %sign3A_1 : i1 to i32
    %sign3A_3 = arith.constant 0 : i32
    %sign3A_4 = arith.cmpi slt, %add3A, %sign3A_3 : i32
    %sign3A_5 = arith.extui %sign3A_4 : i1 to i32
    %sign3A_6 = arith.subi %sign3A_2, %sign3A_5 : i32
    %sign3A_7 = arith.constant 0 : i32
    %sign3A_8 = arith.cmpi sgt, %jit3A, %sign3A_7 : i32
    %sign3A_9 = arith.extui %sign3A_8 : i1 to i32
    %sign3A_10 = arith.constant 0 : i32
    %sign3A_11 = arith.cmpi slt, %jit3A, %sign3A_10 : i32
    %sign3A_12 = arith.extui %sign3A_11 : i1 to i32
    %sign3A_13 = arith.subi %sign3A_9, %sign3A_12 : i32
    %ne3A = arith.cmpi ne, %sign3A_6, %sign3A_13 : i32
    %rem3A = arith.remsi %add3A, %jit3A : i32
    %ne3A_14 = arith.constant 0 : i32
    %ne3A_15 = arith.cmpi ne, %rem3A, %ne3A_14 : i32
    %and3A = arith.andi %ne3A, %ne3A_15 : i1
    %sub3A = arith.constant 1 : i32
    %sub3A_16 = arith.subi %div3A, %sub3A : i32
    %select_n3A = arith.select %and3A, %sub3A_16, %div3A : i32
    %jit3A_17 = arith.constant 8 : i32
    %eq3A = arith.constant 0 : i32
    %eq3A_18 = arith.cmpi eq, %jit3A_17, %eq3A : i32
    %jit3A_19 = arith.constant 1 : i32
    %select_n3A_20 = arith.select %eq3A_18, %jit3A_19, %jit3A_17 : i32
    %rem3A_21 = arith.remsi %add3A, %select_n3A_20 : i32
    %ne3A_22 = arith.constant 0 : i32
    %ne3A_23 = arith.cmpi ne, %rem3A_21, %ne3A_22 : i32
    %lt3A = arith.constant 0 : i32
    %lt3A_24 = arith.cmpi slt, %rem3A_21, %lt3A : i32
    %lt3A_25 = arith.constant 0 : i32
    %lt3A_26 = arith.cmpi slt, %select_n3A_20, %lt3A_25 : i32
    %ne3A_27 = arith.xori %lt3A_24, %lt3A_26 : i1
    %and3A_28 = arith.andi %ne3A_27, %ne3A_23 : i1
    %add3A_29 = arith.addi %rem3A_21, %select_n3A_20 : i32
    %select_n3A_30 = arith.select %and3A_28, %add3A_29, %rem3A_21 : i32
    %mul3A_31 = arith.constant 8 : i32
    %mul3A_32 = arith.muli %select_n3A_30, %mul3A_31 : i32
    "tpu.region"() ({
      %run_scoped3A_38 = tpu.sem_alloc : memref<!tpu.dma_semaphore, #tpu.memory_space<semaphore_mem>>
      %dma_start3A = arith.constant 0 : i32
      %dma_start3A_39 = tpu.memref_slice %arg2[%mul3A_32, %dma_start3A] : memref<64x1024xf32, #tpu.memory_space<hbm>> -> memref<8x1024xf32, #tpu.memory_space<hbm>>
      %dma_start3A_40 = arith.constant 0 : i32
      %dma_start3A_41 = tpu.memref_slice %arg2[%mul3A_32, %dma_start3A_40] : memref<64x1024xf32, #tpu.memory_space<hbm>> -> memref<8x1024xf32, #tpu.memory_space<hbm>>
      tpu.enqueue_dma source(%dma_start3A_41 : memref<8x1024xf32, #tpu.memory_space<hbm>>) target(%arg6 : memref<8x1024xf32, #tpu.memory_space<vmem>>) target_semaphore(%run_scoped3A_38 : memref<!tpu.dma_semaphore, #tpu.memory_space<semaphore_mem>>)
      %dma_wait3A = arith.constant 0 : i32
      %dma_wait3A_42 = tpu.memref_slice %arg2[%mul3A_32, %dma_wait3A] : memref<64x1024xf32, #tpu.memory_space<hbm>> -> memref<8x1024xf32, #tpu.memory_space<hbm>>
      %dma_wait3A_43 = arith.constant 0 : i32
      %dma_wait3A_44 = tpu.memref_slice %arg2[%mul3A_32, %dma_wait3A_43] : memref<64x1024xf32, #tpu.memory_space<hbm>> -> memref<8x1024xf32, #tpu.memory_space<hbm>>
      tpu.wait_dma2 semaphore(%run_scoped3A_38 : memref<!tpu.dma_semaphore, #tpu.memory_space<semaphore_mem>>) src(%dma_wait3A_44 : memref<8x1024xf32, #tpu.memory_space<hbm>>) dst(%arg6 : memref<8x1024xf32, #tpu.memory_space<vmem>>)
      tpu.yield
    }) : () -> ()
    %run_scoped3A = arith.constant 0 : i32
    "tpu.region"() ({
      %run_scoped3A_38 = tpu.sem_alloc : memref<!tpu.dma_semaphore, #tpu.memory_space<semaphore_mem>>
      %dma_start3A = arith.constant 0 : i32
      %dma_start3A_39 = tpu.memref_slice %arg3[%select_n3A, %run_scoped3A, %dma_start3A] : memref<4x1x1024xi32, #tpu.memory_space<hbm>> -> memref<1x1x1024xi32, #tpu.memory_space<hbm>>
      %dma_start3A_40 = tpu.memref_squeeze %dma_start3A_39 : memref<1x1x1024xi32, #tpu.memory_space<hbm>> -> memref<1024xi32, #tpu.memory_space<hbm>>
      %dma_start3A_41 = arith.constant 0 : i32
      %dma_start3A_42 = tpu.memref_slice %arg3[%select_n3A, %run_scoped3A, %dma_start3A_41] : memref<4x1x1024xi32, #tpu.memory_space<hbm>> -> memref<1x1x1024xi32, #tpu.memory_space<hbm>>
      %dma_start3A_43 = tpu.memref_squeeze %dma_start3A_42 : memref<1x1x1024xi32, #tpu.memory_space<hbm>> -> memref<1024xi32, #tpu.memory_space<hbm>>
      tpu.enqueue_dma source(%dma_start3A_43 : memref<1024xi32, #tpu.memory_space<hbm>>) target(%arg5 : memref<1024xi32, #tpu.memory_space<vmem>>) target_semaphore(%run_scoped3A_38 : memref<!tpu.dma_semaphore, #tpu.memory_space<semaphore_mem>>)
      %dma_wait3A = arith.constant 0 : i32
      %dma_wait3A_44 = tpu.memref_slice %arg3[%select_n3A, %run_scoped3A, %dma_wait3A] : memref<4x1x1024xi32, #tpu.memory_space<hbm>> -> memref<1x1x1024xi32, #tpu.memory_space<hbm>>
      %dma_wait3A_45 = tpu.memref_squeeze %dma_wait3A_44 : memref<1x1x1024xi32, #tpu.memory_space<hbm>> -> memref<1024xi32, #tpu.memory_space<hbm>>
      %dma_wait3A_46 = arith.constant 0 : i32
      %dma_wait3A_47 = tpu.memref_slice %arg3[%select_n3A, %run_scoped3A, %dma_wait3A_46] : memref<4x1x1024xi32, #tpu.memory_space<hbm>> -> memref<1x1x1024xi32, #tpu.memory_space<hbm>>
      %dma_wait3A_48 = tpu.memref_squeeze %dma_wait3A_47 : memref<1x1x1024xi32, #tpu.memory_space<hbm>> -> memref<1024xi32, #tpu.memory_space<hbm>>
      tpu.wait_dma2 semaphore(%run_scoped3A_38 : memref<!tpu.dma_semaphore, #tpu.memory_space<semaphore_mem>>) src(%dma_wait3A_48 : memref<1024xi32, #tpu.memory_space<hbm>>) dst(%arg5 : memref<1024xi32, #tpu.memory_space<vmem>>)
      tpu.yield
    }) : () -> ()
    %scan3A = arith.constant 0 : i32
    %scan3A_33 = arith.constant 0 : i32
    %scan3A_34 = arith.constant 64 : i32
    %scan3A_35 = arith.addi %scan3A_33, %scan3A_34 : i32
    %scan3A_36 = arith.constant 1 : i32
    scf.for %scan3A_38 = %scan3A_33 to %scan3A_35 step %scan3A_36  : i32 {
      %mul3A_39 = arith.constant 16 : i32
      %mul3A_40 = arith.muli %scan3A_38, %mul3A_39 : i32
      %multiple_of3A = tpu.assume_multiple %mul3A_40, 16 : i32
      %get3A = arith.index_cast %multiple_of3A : i32 to index
      %get3A_41 = tpu.vector_load %arg5[%get3A] {strides = array<i32>} : memref<1024xi32, #tpu.memory_space<vmem>>, vector<16xi32>,
      %broadcast_in_dim3A = arith.constant 0 : i32
      %broadcast_in_dim3A_42 = vector.broadcast %broadcast_in_dim3A : i32 to vector<16xi32>
      %gather3A = tpu.vector_load_idx %arg6[%broadcast_in_dim3A_42, %get3A_41] : memref<8x1024xf32, #tpu.memory_space<vmem>>[vector<16xi32>, vector<16xi32>], vector<16xf32>,
      %swap3A = arith.constant 0 : i32
      %swap3A_43 = arith.index_cast %swap3A : i32 to index
      %swap3A_44 = arith.index_cast %multiple_of3A : i32 to index
      %swap3A_45 = tpu.vector_load %arg7[%swap3A_43, %swap3A_44] {strides = array<i32>} : memref<8x1024xf32, #tpu.memory_space<vmem>>, vector<16xf32>,
      tpu.vector_store %arg7[%swap3A_43, %swap3A_44], %gather3A {strides = array<i32>} : memref<8x1024xf32, #tpu.memory_space<vmem>>, vector<16xf32>,
      %broadcast_in_dim3A_46 = arith.constant 1 : i32
      %broadcast_in_dim3A_47 = vector.broadcast %broadcast_in_dim3A_46 : i32 to vector<16xi32>
      %gather3A_48 = tpu.vector_load_idx %arg6[%broadcast_in_dim3A_47, %get3A_41] : memref<8x1024xf32, #tpu.memory_space<vmem>>[vector<16xi32>, vector<16xi32>], vector<16xf32>,
      %swap3A_49 = arith.constant 1 : i32
      %swap3A_50 = arith.index_cast %swap3A_49 : i32 to index
      %swap3A_51 = arith.index_cast %multiple_of3A : i32 to index
      %swap3A_52 = tpu.vector_load %arg7[%swap3A_50, %swap3A_51] {strides = array<i32>} : memref<8x1024xf32, #tpu.memory_space<vmem>>, vector<16xf32>,
      tpu.vector_store %arg7[%swap3A_50, %swap3A_51], %gather3A_48 {strides = array<i32>} : memref<8x1024xf32, #tpu.memory_space<vmem>>, vector<16xf32>,
      %broadcast_in_dim3A_53 = arith.constant 2 : i32
      %broadcast_in_dim3A_54 = vector.broadcast %broadcast_in_dim3A_53 : i32 to vector<16xi32>
      %gather3A_55 = tpu.vector_load_idx %arg6[%broadcast_in_dim3A_54, %get3A_41] : memref<8x1024xf32, #tpu.memory_space<vmem>>[vector<16xi32>, vector<16xi32>], vector<16xf32>,
      %swap3A_56 = arith.constant 2 : i32
      %swap3A_57 = arith.index_cast %swap3A_56 : i32 to index
      %swap3A_58 = arith.index_cast %multiple_of3A : i32 to index
      %swap3A_59 = tpu.vector_load %arg7[%swap3A_57, %swap3A_58] {strides = array<i32>} : memref<8x1024xf32, #tpu.memory_space<vmem>>, vector<16xf32>,
      tpu.vector_store %arg7[%swap3A_57, %swap3A_58], %gather3A_55 {strides = array<i32>} : memref<8x1024xf32, #tpu.memory_space<vmem>>, vector<16xf32>,
      %broadcast_in_dim3A_60 = arith.constant 3 : i32
      %broadcast_in_dim3A_61 = vector.broadcast %broadcast_in_dim3A_60 : i32 to vector<16xi32>
      %gather3A_62 = tpu.vector_load_idx %arg6[%broadcast_in_dim3A_61, %get3A_41] : memref<8x1024xf32, #tpu.memory_space<vmem>>[vector<16xi32>, vector<16xi32>], vector<16xf32>,
      %swap3A_63 = arith.constant 3 : i32
      %swap3A_64 = arith.index_cast %swap3A_63 : i32 to index
      %swap3A_65 = arith.index_cast %multiple_of3A : i32 to index
      %swap3A_66 = tpu.vector_load %arg7[%swap3A_64, %swap3A_65] {strides = array<i32>} : memref<8x1024xf32, #tpu.memory_space<vmem>>, vector<16xf32>,
      tpu.vector_store %arg7[%swap3A_64, %swap3A_65], %gather3A_62 {strides = array<i32>} : memref<8x1024xf32, #tpu.memory_space<vmem>>, vector<16xf32>,
      %broadcast_in_dim3A_67 = arith.constant 4 : i32
      %broadcast_in_dim3A_68 = vector.broadcast %broadcast_in_dim3A_67 : i32 to vector<16xi32>
      %gather3A_69 = tpu.vector_load_idx %arg6[%broadcast_in_dim3A_68, %get3A_41] : memref<8x1024xf32, #tpu.memory_space<vmem>>[vector<16xi32>, vector<16xi32>], vector<16xf32>,
      %swap3A_70 = arith.constant 4 : i32
      %swap3A_71 = arith.index_cast %swap3A_70 : i32 to index
      %swap3A_72 = arith.index_cast %multiple_of3A : i32 to index
      %swap3A_73 = tpu.vector_load %arg7[%swap3A_71, %swap3A_72] {strides = array<i32>} : memref<8x1024xf32, #tpu.memory_space<vmem>>, vector<16xf32>,
      tpu.vector_store %arg7[%swap3A_71, %swap3A_72], %gather3A_69 {strides = array<i32>} : memref<8x1024xf32, #tpu.memory_space<vmem>>, vector<16xf32>,
      %broadcast_in_dim3A_74 = arith.constant 5 : i32
      %broadcast_in_dim3A_75 = vector.broadcast %broadcast_in_dim3A_74 : i32 to vector<16xi32>
      %gather3A_76 = tpu.vector_load_idx %arg6[%broadcast_in_dim3A_75, %get3A_41] : memref<8x1024xf32, #tpu.memory_space<vmem>>[vector<16xi32>, vector<16xi32>], vector<16xf32>,
      %swap3A_77 = arith.constant 5 : i32
      %swap3A_78 = arith.index_cast %swap3A_77 : i32 to index
      %swap3A_79 = arith.index_cast %multiple_of3A : i32 to index
      %swap3A_80 = tpu.vector_load %arg7[%swap3A_78, %swap3A_79] {strides = array<i32>} : memref<8x1024xf32, #tpu.memory_space<vmem>>, vector<16xf32>,
      tpu.vector_store %arg7[%swap3A_78, %swap3A_79], %gather3A_76 {strides = array<i32>} : memref<8x1024xf32, #tpu.memory_space<vmem>>, vector<16xf32>,
      %broadcast_in_dim3A_81 = arith.constant 6 : i32
      %broadcast_in_dim3A_82 = vector.broadcast %broadcast_in_dim3A_81 : i32 to vector<16xi32>
      %gather3A_83 = tpu.vector_load_idx %arg6[%broadcast_in_dim3A_82, %get3A_41] : memref<8x1024xf32, #tpu.memory_space<vmem>>[vector<16xi32>, vector<16xi32>], vector<16xf32>,
      %swap3A_84 = arith.constant 6 : i32
      %swap3A_85 = arith.index_cast %swap3A_84 : i32 to index
      %swap3A_86 = arith.index_cast %multiple_of3A : i32 to index
      %swap3A_87 = tpu.vector_load %arg7[%swap3A_85, %swap3A_86] {strides = array<i32>} : memref<8x1024xf32, #tpu.memory_space<vmem>>, vector<16xf32>,
      tpu.vector_store %arg7[%swap3A_85, %swap3A_86], %gather3A_83 {strides = array<i32>} : memref<8x1024xf32, #tpu.memory_space<vmem>>, vector<16xf32>,
      %broadcast_in_dim3A_88 = arith.constant 7 : i32
      %broadcast_in_dim3A_89 = vector.broadcast %broadcast_in_dim3A_88 : i32 to vector<16xi32>
      %gather3A_90 = tpu.vector_load_idx %arg6[%broadcast_in_dim3A_89, %get3A_41] : memref<8x1024xf32, #tpu.memory_space<vmem>>[vector<16xi32>, vector<16xi32>], vector<16xf32>,
      %swap3A_91 = arith.constant 7 : i32
      %swap3A_92 = arith.index_cast %swap3A_91 : i32 to index
      %swap3A_93 = arith.index_cast %multiple_of3A : i32 to index
      %swap3A_94 = tpu.vector_load %arg7[%swap3A_92, %swap3A_93] {strides = array<i32>} : memref<8x1024xf32, #tpu.memory_space<vmem>>, vector<16xf32>,
      tpu.vector_store %arg7[%swap3A_92, %swap3A_93], %gather3A_90 {strides = array<i32>} : memref<8x1024xf32, #tpu.memory_space<vmem>>, vector<16xf32>,
    }
    %scan3A_37 = arith.constant 64 : i32
    "tpu.region"() ({
      %run_scoped3A_38 = tpu.sem_alloc : memref<!tpu.dma_semaphore, #tpu.memory_space<semaphore_mem>>
      %dma_start3A = arith.constant 0 : i32
      %dma_start3A_39 = tpu.memref_slice %arg4[%select_n3A, %mul3A_32, %dma_start3A] : memref<4x64x1024xf32, #tpu.memory_space<hbm>> -> memref<1x8x1024xf32, #tpu.memory_space<hbm>>
      %dma_start3A_40 = tpu.memref_squeeze %dma_start3A_39 : memref<1x8x1024xf32, #tpu.memory_space<hbm>> -> memref<8x1024xf32, #tpu.memory_space<hbm>>
      %dma_start3A_41 = arith.constant 0 : i32
      %dma_start3A_42 = tpu.memref_slice %arg4[%select_n3A, %mul3A_32, %dma_start3A_41] : memref<4x64x1024xf32, #tpu.memory_space<hbm>> -> memref<1x8x1024xf32, #tpu.memory_space<hbm>>
      %dma_start3A_43 = tpu.memref_squeeze %dma_start3A_42 : memref<1x8x1024xf32, #tpu.memory_space<hbm>> -> memref<8x1024xf32, #tpu.memory_space<hbm>>
      tpu.enqueue_dma source(%arg7 : memref<8x1024xf32, #tpu.memory_space<vmem>>) target(%dma_start3A_43 : memref<8x1024xf32, #tpu.memory_space<hbm>>) target_semaphore(%run_scoped3A_38 : memref<!tpu.dma_semaphore, #tpu.memory_space<semaphore_mem>>)
      %dma_wait3A = arith.constant 0 : i32
      %dma_wait3A_44 = tpu.memref_slice %arg4[%select_n3A, %mul3A_32, %dma_wait3A] : memref<4x64x1024xf32, #tpu.memory_space<hbm>> -> memref<1x8x1024xf32, #tpu.memory_space<hbm>>
      %dma_wait3A_45 = tpu.memref_squeeze %dma_wait3A_44 : memref<1x8x1024xf32, #tpu.memory_space<hbm>> -> memref<8x1024xf32, #tpu.memory_space<hbm>>
      %dma_wait3A_46 = arith.constant 0 : i32
      %dma_wait3A_47 = tpu.memref_slice %arg4[%select_n3A, %mul3A_32, %dma_wait3A_46] : memref<4x64x1024xf32, #tpu.memory_space<hbm>> -> memref<1x8x1024xf32, #tpu.memory_space<hbm>>
      %dma_wait3A_48 = tpu.memref_squeeze %dma_wait3A_47 : memref<1x8x1024xf32, #tpu.memory_space<hbm>> -> memref<8x1024xf32, #tpu.memory_space<hbm>>
      tpu.wait_dma2 semaphore(%run_scoped3A_38 : memref<!tpu.dma_semaphore, #tpu.memory_space<semaphore_mem>>) src(%arg7 : memref<8x1024xf32, #tpu.memory_space<vmem>>) dst(%dma_wait3A_48 : memref<8x1024xf32, #tpu.memory_space<hbm>>)
      tpu.yield
    }) : () -> ()
    return
  }
}

module attributes {stable_mosaic.version = 14 : i64} {
  func.func @_dist_body(%arg0: i32, %arg1: i32, %arg2: memref<1x64x512xf32, #tpu.memory_space<vmem>>, %arg3: memref<1024x64xf32, #tpu.memory_space<vmem>>, %arg4: memref<1024x1xf32, #tpu.memory_space<vmem>>, %arg5: memref<1x1x512xf32, #tpu.memory_space<vmem>>, %arg6: memref<1x1x512xi32, #tpu.memory_space<vmem>>, %arg7: memref<1x1xf32, #tpu.memory_space<vmem>>) attributes {dimension_semantics = [#tpu.dimension_semantics<arbitrary>, #tpu.dimension_semantics<arbitrary>], iteration_bounds = array<i64: 4, 2>, scalar_prefetch = 0 : i64, scratch_operands = 0 : i64, tpu.core_type = #tpu.core_type<tc>, window_params = [{transform_indices = @transform_0, window_bounds = array<i64: 1, 64, 512>}, {pipeline_mode = #tpu.pipeline_mode<synchronous>, transform_indices = @transform_1, window_bounds = array<i64: 1024, 64>}, {pipeline_mode = #tpu.pipeline_mode<synchronous>, transform_indices = @transform_2, window_bounds = array<i64: 1024, 1>}, {transform_indices = @transform_3, window_bounds = array<i64: 1, 1, 512>}, {transform_indices = @transform_4, window_bounds = array<i64: 1, 1, 512>}, {pipeline_mode = #tpu.pipeline_mode<synchronous>, transform_indices = @transform_5, window_bounds = array<i64: 1, 1>}]} {
    %get3A = arith.constant 0 : index
    %get3A_0 = arith.constant 0 : index
    %get3A_1 = arith.constant 0 : index
    %get3A_2 = vector.load %arg2[%get3A, %get3A_0, %get3A_1] : memref<1x64x512xf32, #tpu.memory_space<vmem>>, vector<1x64x512xf32>
    %get3A_3 = vector.shape_cast %get3A_2 : vector<1x64x512xf32> to vector<64x512xf32>
    %get3A_4 = arith.constant 0 : index
    %get3A_5 = arith.constant 0 : index
    %get3A_6 = arith.constant 0 : index
    %get3A_7 = vector.load %arg5[%get3A_4, %get3A_5, %get3A_6] : memref<1x1x512xf32, #tpu.memory_space<vmem>>, vector<1x1x512xf32>
    %get3A_8 = vector.shape_cast %get3A_7 : vector<1x1x512xf32> to vector<1x512xf32>
    %get3A_9 = arith.constant 0 : index
    %get3A_10 = arith.constant 0 : index
    %get3A_11 = vector.load %arg3[%get3A_9, %get3A_10] : memref<1024x64xf32, #tpu.memory_space<vmem>>, vector<256x64xf32>
    %dot_general3A = arith.constant dense<0.000000e+00> : vector<256x512xf32>
    %dot_general3A_12 = tpu.matmul %get3A_11, %get3A_3, %dot_general3A {dimension_numbers = #tpu.dot_dimension_numbers<[1], [0], [0], [1], [0, 0, 1, 1], [], []>, transpose_lhs_hint = false} : vector<256x64xf32>, vector<64x512xf32>, vector<256x512xf32> -> vector<256x512xf32>
    %get3A_13 = arith.constant 0 : index
    %get3A_14 = arith.constant 0 : index
    %get3A_15 = vector.load %arg4[%get3A_13, %get3A_14] : memref<1024x1xf32, #tpu.memory_space<vmem>>, vector<256x1xf32>
    %add3A = vector.broadcast %get3A_8 : vector<1x512xf32> to vector<256x512xf32>
    %add3A_16 = vector.broadcast %get3A_15 : vector<256x1xf32> to vector<256x512xf32>
    %add3A_17 = arith.addf %add3A, %add3A_16 : vector<256x512xf32>
    %mul3A = arith.constant 2.000000e+00 : f32
    %mul3A_18 = vector.broadcast %mul3A : f32 to vector<256x512xf32>
    %mul3A_19 = arith.mulf %mul3A_18, %dot_general3A_12 : vector<256x512xf32>
    %sub3A = arith.subf %add3A_17, %mul3A_19 : vector<256x512xf32>
    %reduce_min3A = arith.constant dense<0x7F800000> : vector<512xf32>
    %reduce_min3A_20 = vector.multi_reduction <minimumf>, %sub3A, %reduce_min3A [0] : vector<256x512xf32> to vector<512xf32>
    %broadcast_in_dim3A = vector.shape_cast %reduce_min3A_20 : vector<512xf32> to vector<1x512xf32>
    %iota3A = tpu.iota {dimensions = array<i32: 0>} : vector<256x512xi32>
    %eq3A = vector.broadcast %broadcast_in_dim3A : vector<1x512xf32> to vector<256x512xf32>
    %eq3A_21 = arith.cmpf oeq, %sub3A, %eq3A : vector<256x512xf32>
    %jit3A = arith.constant 1024 : i32
    %broadcast_in_dim3A_22 = vector.broadcast %jit3A : i32 to vector<256x512xi32>
    %select_n3A = arith.select %eq3A_21, %iota3A, %broadcast_in_dim3A_22 : vector<256x512xi1>, vector<256x512xi32>
    %reduce_min3A_23 = arith.constant dense<2147483647> : vector<512xi32>
    %reduce_min3A_24 = vector.multi_reduction <minsi>, %select_n3A, %reduce_min3A_23 [0] : vector<256x512xi32> to vector<512xi32>
    %broadcast_in_dim3A_25 = vector.shape_cast %reduce_min3A_24 : vector<512xi32> to vector<1x512xi32>
    %add3A_26 = arith.constant 0 : i32
    %add3A_27 = vector.broadcast %add3A_26 : i32 to vector<1x512xi32>
    %add3A_28 = arith.addi %broadcast_in_dim3A_25, %add3A_27 : vector<1x512xi32>
    %get3A_29 = arith.constant 256 : index
    %get3A_30 = arith.constant 0 : index
    %get3A_31 = vector.load %arg3[%get3A_29, %get3A_30] : memref<1024x64xf32, #tpu.memory_space<vmem>>, vector<256x64xf32>
    %dot_general3A_32 = arith.constant dense<0.000000e+00> : vector<256x512xf32>
    %dot_general3A_33 = tpu.matmul %get3A_31, %get3A_3, %dot_general3A_32 {dimension_numbers = #tpu.dot_dimension_numbers<[1], [0], [0], [1], [0, 0, 1, 1], [], []>, transpose_lhs_hint = false} : vector<256x64xf32>, vector<64x512xf32>, vector<256x512xf32> -> vector<256x512xf32>
    %get3A_34 = arith.constant 256 : index
    %get3A_35 = arith.constant 0 : index
    %get3A_36 = vector.load %arg4[%get3A_34, %get3A_35] : memref<1024x1xf32, #tpu.memory_space<vmem>>, vector<256x1xf32>
    %add3A_37 = vector.broadcast %get3A_8 : vector<1x512xf32> to vector<256x512xf32>
    %add3A_38 = vector.broadcast %get3A_36 : vector<256x1xf32> to vector<256x512xf32>
    %add3A_39 = arith.addf %add3A_37, %add3A_38 : vector<256x512xf32>
    %mul3A_40 = arith.constant 2.000000e+00 : f32
    %mul3A_41 = vector.broadcast %mul3A_40 : f32 to vector<256x512xf32>
    %mul3A_42 = arith.mulf %mul3A_41, %dot_general3A_33 : vector<256x512xf32>
    %sub3A_43 = arith.subf %add3A_39, %mul3A_42 : vector<256x512xf32>
    %reduce_min3A_44 = arith.constant dense<0x7F800000> : vector<512xf32>
    %reduce_min3A_45 = vector.multi_reduction <minimumf>, %sub3A_43, %reduce_min3A_44 [0] : vector<256x512xf32> to vector<512xf32>
    %broadcast_in_dim3A_46 = vector.shape_cast %reduce_min3A_45 : vector<512xf32> to vector<1x512xf32>
    %iota3A_47 = tpu.iota {dimensions = array<i32: 0>} : vector<256x512xi32>
    %eq3A_48 = vector.broadcast %broadcast_in_dim3A_46 : vector<1x512xf32> to vector<256x512xf32>
    %eq3A_49 = arith.cmpf oeq, %sub3A_43, %eq3A_48 : vector<256x512xf32>
    %jit3A_50 = arith.constant 1024 : i32
    %broadcast_in_dim3A_51 = vector.broadcast %jit3A_50 : i32 to vector<256x512xi32>
    %select_n3A_52 = arith.select %eq3A_49, %iota3A_47, %broadcast_in_dim3A_51 : vector<256x512xi1>, vector<256x512xi32>
    %reduce_min3A_53 = arith.constant dense<2147483647> : vector<512xi32>
    %reduce_min3A_54 = vector.multi_reduction <minsi>, %select_n3A_52, %reduce_min3A_53 [0] : vector<256x512xi32> to vector<512xi32>
    %broadcast_in_dim3A_55 = vector.shape_cast %reduce_min3A_54 : vector<512xi32> to vector<1x512xi32>
    %add3A_56 = arith.constant 256 : i32
    %add3A_57 = vector.broadcast %add3A_56 : i32 to vector<1x512xi32>
    %add3A_58 = arith.addi %broadcast_in_dim3A_55, %add3A_57 : vector<1x512xi32>
    %lt3A = arith.cmpf olt, %broadcast_in_dim3A_46, %broadcast_in_dim3A : vector<1x512xf32>
    %select_n3A_59 = arith.select %lt3A, %add3A_58, %add3A_28 : vector<1x512xi1>, vector<1x512xi32>
    %min3A = arith.minimumf %broadcast_in_dim3A, %broadcast_in_dim3A_46 : vector<1x512xf32>
    %get3A_60 = arith.constant 512 : index
    %get3A_61 = arith.constant 0 : index
    %get3A_62 = vector.load %arg3[%get3A_60, %get3A_61] : memref<1024x64xf32, #tpu.memory_space<vmem>>, vector<256x64xf32>
    %dot_general3A_63 = arith.constant dense<0.000000e+00> : vector<256x512xf32>
    %dot_general3A_64 = tpu.matmul %get3A_62, %get3A_3, %dot_general3A_63 {dimension_numbers = #tpu.dot_dimension_numbers<[1], [0], [0], [1], [0, 0, 1, 1], [], []>, transpose_lhs_hint = false} : vector<256x64xf32>, vector<64x512xf32>, vector<256x512xf32> -> vector<256x512xf32>
    %get3A_65 = arith.constant 512 : index
    %get3A_66 = arith.constant 0 : index
    %get3A_67 = vector.load %arg4[%get3A_65, %get3A_66] : memref<1024x1xf32, #tpu.memory_space<vmem>>, vector<256x1xf32>
    %add3A_68 = vector.broadcast %get3A_8 : vector<1x512xf32> to vector<256x512xf32>
    %add3A_69 = vector.broadcast %get3A_67 : vector<256x1xf32> to vector<256x512xf32>
    %add3A_70 = arith.addf %add3A_68, %add3A_69 : vector<256x512xf32>
    %mul3A_71 = arith.constant 2.000000e+00 : f32
    %mul3A_72 = vector.broadcast %mul3A_71 : f32 to vector<256x512xf32>
    %mul3A_73 = arith.mulf %mul3A_72, %dot_general3A_64 : vector<256x512xf32>
    %sub3A_74 = arith.subf %add3A_70, %mul3A_73 : vector<256x512xf32>
    %reduce_min3A_75 = arith.constant dense<0x7F800000> : vector<512xf32>
    %reduce_min3A_76 = vector.multi_reduction <minimumf>, %sub3A_74, %reduce_min3A_75 [0] : vector<256x512xf32> to vector<512xf32>
    %broadcast_in_dim3A_77 = vector.shape_cast %reduce_min3A_76 : vector<512xf32> to vector<1x512xf32>
    %iota3A_78 = tpu.iota {dimensions = array<i32: 0>} : vector<256x512xi32>
    %eq3A_79 = vector.broadcast %broadcast_in_dim3A_77 : vector<1x512xf32> to vector<256x512xf32>
    %eq3A_80 = arith.cmpf oeq, %sub3A_74, %eq3A_79 : vector<256x512xf32>
    %jit3A_81 = arith.constant 1024 : i32
    %broadcast_in_dim3A_82 = vector.broadcast %jit3A_81 : i32 to vector<256x512xi32>
    %select_n3A_83 = arith.select %eq3A_80, %iota3A_78, %broadcast_in_dim3A_82 : vector<256x512xi1>, vector<256x512xi32>
    %reduce_min3A_84 = arith.constant dense<2147483647> : vector<512xi32>
    %reduce_min3A_85 = vector.multi_reduction <minsi>, %select_n3A_83, %reduce_min3A_84 [0] : vector<256x512xi32> to vector<512xi32>
    %broadcast_in_dim3A_86 = vector.shape_cast %reduce_min3A_85 : vector<512xi32> to vector<1x512xi32>
    %add3A_87 = arith.constant 512 : i32
    %add3A_88 = vector.broadcast %add3A_87 : i32 to vector<1x512xi32>
    %add3A_89 = arith.addi %broadcast_in_dim3A_86, %add3A_88 : vector<1x512xi32>
    %lt3A_90 = arith.cmpf olt, %broadcast_in_dim3A_77, %min3A : vector<1x512xf32>
    %select_n3A_91 = arith.select %lt3A_90, %add3A_89, %select_n3A_59 : vector<1x512xi1>, vector<1x512xi32>
    %min3A_92 = arith.minimumf %min3A, %broadcast_in_dim3A_77 : vector<1x512xf32>
    %get3A_93 = arith.constant 768 : index
    %get3A_94 = arith.constant 0 : index
    %get3A_95 = vector.load %arg3[%get3A_93, %get3A_94] : memref<1024x64xf32, #tpu.memory_space<vmem>>, vector<256x64xf32>
    %dot_general3A_96 = arith.constant dense<0.000000e+00> : vector<256x512xf32>
    %dot_general3A_97 = tpu.matmul %get3A_95, %get3A_3, %dot_general3A_96 {dimension_numbers = #tpu.dot_dimension_numbers<[1], [0], [0], [1], [0, 0, 1, 1], [], []>, transpose_lhs_hint = false} : vector<256x64xf32>, vector<64x512xf32>, vector<256x512xf32> -> vector<256x512xf32>
    %get3A_98 = arith.constant 768 : index
    %get3A_99 = arith.constant 0 : index
    %get3A_100 = vector.load %arg4[%get3A_98, %get3A_99] : memref<1024x1xf32, #tpu.memory_space<vmem>>, vector<256x1xf32>
    %add3A_101 = vector.broadcast %get3A_8 : vector<1x512xf32> to vector<256x512xf32>
    %add3A_102 = vector.broadcast %get3A_100 : vector<256x1xf32> to vector<256x512xf32>
    %add3A_103 = arith.addf %add3A_101, %add3A_102 : vector<256x512xf32>
    %mul3A_104 = arith.constant 2.000000e+00 : f32
    %mul3A_105 = vector.broadcast %mul3A_104 : f32 to vector<256x512xf32>
    %mul3A_106 = arith.mulf %mul3A_105, %dot_general3A_97 : vector<256x512xf32>
    %sub3A_107 = arith.subf %add3A_103, %mul3A_106 : vector<256x512xf32>
    %reduce_min3A_108 = arith.constant dense<0x7F800000> : vector<512xf32>
    %reduce_min3A_109 = vector.multi_reduction <minimumf>, %sub3A_107, %reduce_min3A_108 [0] : vector<256x512xf32> to vector<512xf32>
    %broadcast_in_dim3A_110 = vector.shape_cast %reduce_min3A_109 : vector<512xf32> to vector<1x512xf32>
    %iota3A_111 = tpu.iota {dimensions = array<i32: 0>} : vector<256x512xi32>
    %eq3A_112 = vector.broadcast %broadcast_in_dim3A_110 : vector<1x512xf32> to vector<256x512xf32>
    %eq3A_113 = arith.cmpf oeq, %sub3A_107, %eq3A_112 : vector<256x512xf32>
    %jit3A_114 = arith.constant 1024 : i32
    %broadcast_in_dim3A_115 = vector.broadcast %jit3A_114 : i32 to vector<256x512xi32>
    %select_n3A_116 = arith.select %eq3A_113, %iota3A_111, %broadcast_in_dim3A_115 : vector<256x512xi1>, vector<256x512xi32>
    %reduce_min3A_117 = arith.constant dense<2147483647> : vector<512xi32>
    %reduce_min3A_118 = vector.multi_reduction <minsi>, %select_n3A_116, %reduce_min3A_117 [0] : vector<256x512xi32> to vector<512xi32>
    %broadcast_in_dim3A_119 = vector.shape_cast %reduce_min3A_118 : vector<512xi32> to vector<1x512xi32>
    %add3A_120 = arith.constant 768 : i32
    %add3A_121 = vector.broadcast %add3A_120 : i32 to vector<1x512xi32>
    %add3A_122 = arith.addi %broadcast_in_dim3A_119, %add3A_121 : vector<1x512xi32>
    %lt3A_123 = arith.cmpf olt, %broadcast_in_dim3A_110, %min3A_92 : vector<1x512xf32>
    %select_n3A_124 = arith.select %lt3A_123, %add3A_122, %select_n3A_91 : vector<1x512xi1>, vector<1x512xi32>
    %min3A_125 = arith.minimumf %min3A_92, %broadcast_in_dim3A_110 : vector<1x512xf32>
    %swap3A = arith.constant 0 : index
    %swap3A_126 = arith.constant 0 : index
    %swap3A_127 = arith.constant 0 : index
    %swap3A_128 = vector.load %arg6[%swap3A, %swap3A_126, %swap3A_127] : memref<1x1x512xi32, #tpu.memory_space<vmem>>, vector<1x1x512xi32>
    %swap3A_129 = vector.shape_cast %swap3A_128 : vector<1x1x512xi32> to vector<1x512xi32>
    %swap3A_130 = vector.shape_cast %select_n3A_124 : vector<1x512xi32> to vector<1x1x512xi32>
    tpu.vector_store %arg6[%swap3A, %swap3A_126, %swap3A_127], %swap3A_130 {strides = array<i32>} : memref<1x1x512xi32, #tpu.memory_space<vmem>>, vector<1x1x512xi32>,
    %reduce_sum3A = arith.constant dense<0.000000e+00> : vector<1xf32>
    %reduce_sum3A_131 = vector.multi_reduction <add>, %min3A_125, %reduce_sum3A [1] : vector<1x512xf32> to vector<1xf32>
    %broadcast_in_dim3A_132 = vector.shape_cast %reduce_sum3A_131 : vector<1xf32> to vector<1x1xf32>
    %eq3A_133 = arith.constant 0 : i32
    %eq3A_134 = arith.cmpi eq, %arg0, %eq3A_133 : i32
    %eq3A_135 = arith.constant 0 : i32
    %eq3A_136 = arith.cmpi eq, %arg1, %eq3A_135 : i32
    %and3A = arith.andi %eq3A_134, %eq3A_136 : i1
    %convert_element_type3A = arith.extui %and3A : i1 to i32
    %cond3A = arith.constant 0 : i32
    %cond3A_137 = arith.cmpi ne, %convert_element_type3A, %cond3A : i32
    scf.if %cond3A_137 {
      %broadcast_in_dim3A_145 = arith.constant 0.000000e+00 : f32
      %broadcast_in_dim3A_146 = vector.broadcast %broadcast_in_dim3A_145 : f32 to vector<1x1xf32>
      %swap3A_147 = arith.constant 0 : index
      %swap3A_148 = arith.constant 0 : index
      %swap3A_149 = vector.load %arg7[%swap3A_147, %swap3A_148] : memref<1x1xf32, #tpu.memory_space<vmem>>, vector<1x1xf32>
      tpu.vector_store %arg7[%swap3A_147, %swap3A_148], %broadcast_in_dim3A_146 {strides = array<i32>} : memref<1x1xf32, #tpu.memory_space<vmem>>, vector<1x1xf32>,
    } else {
    }
    %get3A_138 = arith.constant 0 : index
    %get3A_139 = arith.constant 0 : index
    %get3A_140 = vector.load %arg7[%get3A_138, %get3A_139] : memref<1x1xf32, #tpu.memory_space<vmem>>, vector<1x1xf32>
    %add3A_141 = arith.addf %get3A_140, %broadcast_in_dim3A_132 : vector<1x1xf32>
    %swap3A_142 = arith.constant 0 : index
    %swap3A_143 = arith.constant 0 : index
    %swap3A_144 = vector.load %arg7[%swap3A_142, %swap3A_143] : memref<1x1xf32, #tpu.memory_space<vmem>>, vector<1x1xf32>
    tpu.vector_store %arg7[%swap3A_142, %swap3A_143], %add3A_141 {strides = array<i32>} : memref<1x1xf32, #tpu.memory_space<vmem>>, vector<1x1xf32>,
    return
  }
  func.func @transform_0(%arg0: i32, %arg1: i32) -> (i32, i32, i32) {
    %add3A = arith.constant 12 : i32
    %add3A_0 = arith.addi %arg0, %add3A : i32
    %c0_i32 = arith.constant 0 : i32
    %c0_i32_1 = arith.constant 0 : i32
    return %add3A_0, %c0_i32, %arg1 : i32, i32, i32
  }
  func.func @transform_1(%arg0: i32, %arg1: i32) -> (i32, i32) {
    %c0_i32 = arith.constant 0 : i32
    %c0_i32_0 = arith.constant 0 : i32
    %c0_i32_1 = arith.constant 0 : i32
    return %c0_i32, %c0_i32_0 : i32, i32
  }
  func.func @transform_2(%arg0: i32, %arg1: i32) -> (i32, i32) {
    %c0_i32 = arith.constant 0 : i32
    %c0_i32_0 = arith.constant 0 : i32
    %c0_i32_1 = arith.constant 0 : i32
    return %c0_i32, %c0_i32_0 : i32, i32
  }
  func.func @transform_3(%arg0: i32, %arg1: i32) -> (i32, i32, i32) {
    %add3A = arith.constant 12 : i32
    %add3A_0 = arith.addi %arg0, %add3A : i32
    %c0_i32 = arith.constant 0 : i32
    %c0_i32_1 = arith.constant 0 : i32
    return %add3A_0, %c0_i32, %arg1 : i32, i32, i32
  }
  func.func @transform_4(%arg0: i32, %arg1: i32) -> (i32, i32, i32) {
    %c0_i32 = arith.constant 0 : i32
    %c0_i32_0 = arith.constant 0 : i32
    return %arg0, %c0_i32, %arg1 : i32, i32, i32
  }
  func.func @transform_5(%arg0: i32, %arg1: i32) -> (i32, i32) {
    %c0_i32 = arith.constant 0 : i32
    %c0_i32_0 = arith.constant 0 : i32
    %c0_i32_1 = arith.constant 0 : i32
    return %c0_i32, %c0_i32_0 : i32, i32
  }
}

module attributes {stable_mosaic.version = 14 : i64} {
  func.func @_dist_body_et(%arg0: i32, %arg1: i32, %arg2: memref<1x64x512xf32, #tpu.memory_space<vmem>>, %arg3: memref<1024x64xf32, #tpu.memory_space<vmem>>, %arg4: memref<1024x1xf32, #tpu.memory_space<vmem>>, %arg5: memref<1x1x512xf32, #tpu.memory_space<vmem>>, %arg6: memref<1x1x512xi32, #tpu.memory_space<vmem>>, %arg7: memref<1x1xf32, #tpu.memory_space<vmem>>, %arg8: memref<64x1024xf32, #tpu.memory_space<vmem>>) attributes {dimension_semantics = [#tpu.dimension_semantics<arbitrary>, #tpu.dimension_semantics<arbitrary>], iteration_bounds = array<i64: 8, 2>, scalar_prefetch = 0 : i64, scratch_operands = 0 : i64, tpu.core_type = #tpu.core_type<tc>, window_params = [{transform_indices = @transform_0, window_bounds = array<i64: 1, 64, 512>}, {pipeline_mode = #tpu.pipeline_mode<synchronous>, transform_indices = @transform_1, window_bounds = array<i64: 1024, 64>}, {pipeline_mode = #tpu.pipeline_mode<synchronous>, transform_indices = @transform_2, window_bounds = array<i64: 1024, 1>}, {transform_indices = @transform_3, window_bounds = array<i64: 1, 1, 512>}, {transform_indices = @transform_4, window_bounds = array<i64: 1, 1, 512>}, {pipeline_mode = #tpu.pipeline_mode<synchronous>, transform_indices = @transform_5, window_bounds = array<i64: 1, 1>}, {pipeline_mode = #tpu.pipeline_mode<synchronous>, transform_indices = @transform_6, window_bounds = array<i64: 64, 1024>}]} {
    %get3A = arith.constant 0 : index
    %get3A_0 = arith.constant 0 : index
    %get3A_1 = arith.constant 0 : index
    %get3A_2 = vector.load %arg2[%get3A, %get3A_0, %get3A_1] : memref<1x64x512xf32, #tpu.memory_space<vmem>>, vector<1x64x512xf32>
    %get3A_3 = vector.shape_cast %get3A_2 : vector<1x64x512xf32> to vector<64x512xf32>
    %get3A_4 = arith.constant 0 : index
    %get3A_5 = arith.constant 0 : index
    %get3A_6 = arith.constant 0 : index
    %get3A_7 = vector.load %arg5[%get3A_4, %get3A_5, %get3A_6] : memref<1x1x512xf32, #tpu.memory_space<vmem>>, vector<1x1x512xf32>
    %get3A_8 = vector.shape_cast %get3A_7 : vector<1x1x512xf32> to vector<1x512xf32>
    %get3A_9 = arith.constant 0 : index
    %get3A_10 = arith.constant 0 : index
    %get3A_11 = vector.load %arg3[%get3A_9, %get3A_10] : memref<1024x64xf32, #tpu.memory_space<vmem>>, vector<256x64xf32>
    %dot_general3A = arith.constant dense<0.000000e+00> : vector<256x512xf32>
    %dot_general3A_12 = tpu.matmul %get3A_11, %get3A_3, %dot_general3A {dimension_numbers = #tpu.dot_dimension_numbers<[1], [0], [0], [1], [0, 0, 1, 1], [], []>, transpose_lhs_hint = false} : vector<256x64xf32>, vector<64x512xf32>, vector<256x512xf32> -> vector<256x512xf32>
    %get3A_13 = arith.constant 0 : index
    %get3A_14 = arith.constant 0 : index
    %get3A_15 = vector.load %arg4[%get3A_13, %get3A_14] : memref<1024x1xf32, #tpu.memory_space<vmem>>, vector<256x1xf32>
    %add3A = vector.broadcast %get3A_8 : vector<1x512xf32> to vector<256x512xf32>
    %add3A_16 = vector.broadcast %get3A_15 : vector<256x1xf32> to vector<256x512xf32>
    %add3A_17 = arith.addf %add3A, %add3A_16 : vector<256x512xf32>
    %mul3A = arith.constant 2.000000e+00 : f32
    %mul3A_18 = vector.broadcast %mul3A : f32 to vector<256x512xf32>
    %mul3A_19 = arith.mulf %mul3A_18, %dot_general3A_12 : vector<256x512xf32>
    %sub3A = arith.subf %add3A_17, %mul3A_19 : vector<256x512xf32>
    %reduce_min3A = arith.constant dense<0x7F800000> : vector<512xf32>
    %reduce_min3A_20 = vector.multi_reduction <minimumf>, %sub3A, %reduce_min3A [0] : vector<256x512xf32> to vector<512xf32>
    %broadcast_in_dim3A = vector.shape_cast %reduce_min3A_20 : vector<512xf32> to vector<1x512xf32>
    %iota3A = tpu.iota {dimensions = array<i32: 0>} : vector<256x512xi32>
    %eq3A = vector.broadcast %broadcast_in_dim3A : vector<1x512xf32> to vector<256x512xf32>
    %eq3A_21 = arith.cmpf oeq, %sub3A, %eq3A : vector<256x512xf32>
    %jit3A = arith.constant 1024 : i32
    %broadcast_in_dim3A_22 = vector.broadcast %jit3A : i32 to vector<256x512xi32>
    %select_n3A = arith.select %eq3A_21, %iota3A, %broadcast_in_dim3A_22 : vector<256x512xi1>, vector<256x512xi32>
    %reduce_min3A_23 = arith.constant dense<2147483647> : vector<512xi32>
    %reduce_min3A_24 = vector.multi_reduction <minsi>, %select_n3A, %reduce_min3A_23 [0] : vector<256x512xi32> to vector<512xi32>
    %broadcast_in_dim3A_25 = vector.shape_cast %reduce_min3A_24 : vector<512xi32> to vector<1x512xi32>
    %add3A_26 = arith.constant 0 : i32
    %add3A_27 = vector.broadcast %add3A_26 : i32 to vector<1x512xi32>
    %add3A_28 = arith.addi %broadcast_in_dim3A_25, %add3A_27 : vector<1x512xi32>
    %get3A_29 = arith.constant 256 : index
    %get3A_30 = arith.constant 0 : index
    %get3A_31 = vector.load %arg3[%get3A_29, %get3A_30] : memref<1024x64xf32, #tpu.memory_space<vmem>>, vector<256x64xf32>
    %dot_general3A_32 = arith.constant dense<0.000000e+00> : vector<256x512xf32>
    %dot_general3A_33 = tpu.matmul %get3A_31, %get3A_3, %dot_general3A_32 {dimension_numbers = #tpu.dot_dimension_numbers<[1], [0], [0], [1], [0, 0, 1, 1], [], []>, transpose_lhs_hint = false} : vector<256x64xf32>, vector<64x512xf32>, vector<256x512xf32> -> vector<256x512xf32>
    %get3A_34 = arith.constant 256 : index
    %get3A_35 = arith.constant 0 : index
    %get3A_36 = vector.load %arg4[%get3A_34, %get3A_35] : memref<1024x1xf32, #tpu.memory_space<vmem>>, vector<256x1xf32>
    %add3A_37 = vector.broadcast %get3A_8 : vector<1x512xf32> to vector<256x512xf32>
    %add3A_38 = vector.broadcast %get3A_36 : vector<256x1xf32> to vector<256x512xf32>
    %add3A_39 = arith.addf %add3A_37, %add3A_38 : vector<256x512xf32>
    %mul3A_40 = arith.constant 2.000000e+00 : f32
    %mul3A_41 = vector.broadcast %mul3A_40 : f32 to vector<256x512xf32>
    %mul3A_42 = arith.mulf %mul3A_41, %dot_general3A_33 : vector<256x512xf32>
    %sub3A_43 = arith.subf %add3A_39, %mul3A_42 : vector<256x512xf32>
    %reduce_min3A_44 = arith.constant dense<0x7F800000> : vector<512xf32>
    %reduce_min3A_45 = vector.multi_reduction <minimumf>, %sub3A_43, %reduce_min3A_44 [0] : vector<256x512xf32> to vector<512xf32>
    %broadcast_in_dim3A_46 = vector.shape_cast %reduce_min3A_45 : vector<512xf32> to vector<1x512xf32>
    %iota3A_47 = tpu.iota {dimensions = array<i32: 0>} : vector<256x512xi32>
    %eq3A_48 = vector.broadcast %broadcast_in_dim3A_46 : vector<1x512xf32> to vector<256x512xf32>
    %eq3A_49 = arith.cmpf oeq, %sub3A_43, %eq3A_48 : vector<256x512xf32>
    %jit3A_50 = arith.constant 1024 : i32
    %broadcast_in_dim3A_51 = vector.broadcast %jit3A_50 : i32 to vector<256x512xi32>
    %select_n3A_52 = arith.select %eq3A_49, %iota3A_47, %broadcast_in_dim3A_51 : vector<256x512xi1>, vector<256x512xi32>
    %reduce_min3A_53 = arith.constant dense<2147483647> : vector<512xi32>
    %reduce_min3A_54 = vector.multi_reduction <minsi>, %select_n3A_52, %reduce_min3A_53 [0] : vector<256x512xi32> to vector<512xi32>
    %broadcast_in_dim3A_55 = vector.shape_cast %reduce_min3A_54 : vector<512xi32> to vector<1x512xi32>
    %add3A_56 = arith.constant 256 : i32
    %add3A_57 = vector.broadcast %add3A_56 : i32 to vector<1x512xi32>
    %add3A_58 = arith.addi %broadcast_in_dim3A_55, %add3A_57 : vector<1x512xi32>
    %lt3A = arith.cmpf olt, %broadcast_in_dim3A_46, %broadcast_in_dim3A : vector<1x512xf32>
    %select_n3A_59 = arith.select %lt3A, %add3A_58, %add3A_28 : vector<1x512xi1>, vector<1x512xi32>
    %min3A = arith.minimumf %broadcast_in_dim3A, %broadcast_in_dim3A_46 : vector<1x512xf32>
    %get3A_60 = arith.constant 512 : index
    %get3A_61 = arith.constant 0 : index
    %get3A_62 = vector.load %arg3[%get3A_60, %get3A_61] : memref<1024x64xf32, #tpu.memory_space<vmem>>, vector<256x64xf32>
    %dot_general3A_63 = arith.constant dense<0.000000e+00> : vector<256x512xf32>
    %dot_general3A_64 = tpu.matmul %get3A_62, %get3A_3, %dot_general3A_63 {dimension_numbers = #tpu.dot_dimension_numbers<[1], [0], [0], [1], [0, 0, 1, 1], [], []>, transpose_lhs_hint = false} : vector<256x64xf32>, vector<64x512xf32>, vector<256x512xf32> -> vector<256x512xf32>
    %get3A_65 = arith.constant 512 : index
    %get3A_66 = arith.constant 0 : index
    %get3A_67 = vector.load %arg4[%get3A_65, %get3A_66] : memref<1024x1xf32, #tpu.memory_space<vmem>>, vector<256x1xf32>
    %add3A_68 = vector.broadcast %get3A_8 : vector<1x512xf32> to vector<256x512xf32>
    %add3A_69 = vector.broadcast %get3A_67 : vector<256x1xf32> to vector<256x512xf32>
    %add3A_70 = arith.addf %add3A_68, %add3A_69 : vector<256x512xf32>
    %mul3A_71 = arith.constant 2.000000e+00 : f32
    %mul3A_72 = vector.broadcast %mul3A_71 : f32 to vector<256x512xf32>
    %mul3A_73 = arith.mulf %mul3A_72, %dot_general3A_64 : vector<256x512xf32>
    %sub3A_74 = arith.subf %add3A_70, %mul3A_73 : vector<256x512xf32>
    %reduce_min3A_75 = arith.constant dense<0x7F800000> : vector<512xf32>
    %reduce_min3A_76 = vector.multi_reduction <minimumf>, %sub3A_74, %reduce_min3A_75 [0] : vector<256x512xf32> to vector<512xf32>
    %broadcast_in_dim3A_77 = vector.shape_cast %reduce_min3A_76 : vector<512xf32> to vector<1x512xf32>
    %iota3A_78 = tpu.iota {dimensions = array<i32: 0>} : vector<256x512xi32>
    %eq3A_79 = vector.broadcast %broadcast_in_dim3A_77 : vector<1x512xf32> to vector<256x512xf32>
    %eq3A_80 = arith.cmpf oeq, %sub3A_74, %eq3A_79 : vector<256x512xf32>
    %jit3A_81 = arith.constant 1024 : i32
    %broadcast_in_dim3A_82 = vector.broadcast %jit3A_81 : i32 to vector<256x512xi32>
    %select_n3A_83 = arith.select %eq3A_80, %iota3A_78, %broadcast_in_dim3A_82 : vector<256x512xi1>, vector<256x512xi32>
    %reduce_min3A_84 = arith.constant dense<2147483647> : vector<512xi32>
    %reduce_min3A_85 = vector.multi_reduction <minsi>, %select_n3A_83, %reduce_min3A_84 [0] : vector<256x512xi32> to vector<512xi32>
    %broadcast_in_dim3A_86 = vector.shape_cast %reduce_min3A_85 : vector<512xi32> to vector<1x512xi32>
    %add3A_87 = arith.constant 512 : i32
    %add3A_88 = vector.broadcast %add3A_87 : i32 to vector<1x512xi32>
    %add3A_89 = arith.addi %broadcast_in_dim3A_86, %add3A_88 : vector<1x512xi32>
    %lt3A_90 = arith.cmpf olt, %broadcast_in_dim3A_77, %min3A : vector<1x512xf32>
    %select_n3A_91 = arith.select %lt3A_90, %add3A_89, %select_n3A_59 : vector<1x512xi1>, vector<1x512xi32>
    %min3A_92 = arith.minimumf %min3A, %broadcast_in_dim3A_77 : vector<1x512xf32>
    %get3A_93 = arith.constant 768 : index
    %get3A_94 = arith.constant 0 : index
    %get3A_95 = vector.load %arg3[%get3A_93, %get3A_94] : memref<1024x64xf32, #tpu.memory_space<vmem>>, vector<256x64xf32>
    %dot_general3A_96 = arith.constant dense<0.000000e+00> : vector<256x512xf32>
    %dot_general3A_97 = tpu.matmul %get3A_95, %get3A_3, %dot_general3A_96 {dimension_numbers = #tpu.dot_dimension_numbers<[1], [0], [0], [1], [0, 0, 1, 1], [], []>, transpose_lhs_hint = false} : vector<256x64xf32>, vector<64x512xf32>, vector<256x512xf32> -> vector<256x512xf32>
    %get3A_98 = arith.constant 768 : index
    %get3A_99 = arith.constant 0 : index
    %get3A_100 = vector.load %arg4[%get3A_98, %get3A_99] : memref<1024x1xf32, #tpu.memory_space<vmem>>, vector<256x1xf32>
    %add3A_101 = vector.broadcast %get3A_8 : vector<1x512xf32> to vector<256x512xf32>
    %add3A_102 = vector.broadcast %get3A_100 : vector<256x1xf32> to vector<256x512xf32>
    %add3A_103 = arith.addf %add3A_101, %add3A_102 : vector<256x512xf32>
    %mul3A_104 = arith.constant 2.000000e+00 : f32
    %mul3A_105 = vector.broadcast %mul3A_104 : f32 to vector<256x512xf32>
    %mul3A_106 = arith.mulf %mul3A_105, %dot_general3A_97 : vector<256x512xf32>
    %sub3A_107 = arith.subf %add3A_103, %mul3A_106 : vector<256x512xf32>
    %reduce_min3A_108 = arith.constant dense<0x7F800000> : vector<512xf32>
    %reduce_min3A_109 = vector.multi_reduction <minimumf>, %sub3A_107, %reduce_min3A_108 [0] : vector<256x512xf32> to vector<512xf32>
    %broadcast_in_dim3A_110 = vector.shape_cast %reduce_min3A_109 : vector<512xf32> to vector<1x512xf32>
    %iota3A_111 = tpu.iota {dimensions = array<i32: 0>} : vector<256x512xi32>
    %eq3A_112 = vector.broadcast %broadcast_in_dim3A_110 : vector<1x512xf32> to vector<256x512xf32>
    %eq3A_113 = arith.cmpf oeq, %sub3A_107, %eq3A_112 : vector<256x512xf32>
    %jit3A_114 = arith.constant 1024 : i32
    %broadcast_in_dim3A_115 = vector.broadcast %jit3A_114 : i32 to vector<256x512xi32>
    %select_n3A_116 = arith.select %eq3A_113, %iota3A_111, %broadcast_in_dim3A_115 : vector<256x512xi1>, vector<256x512xi32>
    %reduce_min3A_117 = arith.constant dense<2147483647> : vector<512xi32>
    %reduce_min3A_118 = vector.multi_reduction <minsi>, %select_n3A_116, %reduce_min3A_117 [0] : vector<256x512xi32> to vector<512xi32>
    %broadcast_in_dim3A_119 = vector.shape_cast %reduce_min3A_118 : vector<512xi32> to vector<1x512xi32>
    %add3A_120 = arith.constant 768 : i32
    %add3A_121 = vector.broadcast %add3A_120 : i32 to vector<1x512xi32>
    %add3A_122 = arith.addi %broadcast_in_dim3A_119, %add3A_121 : vector<1x512xi32>
    %lt3A_123 = arith.cmpf olt, %broadcast_in_dim3A_110, %min3A_92 : vector<1x512xf32>
    %select_n3A_124 = arith.select %lt3A_123, %add3A_122, %select_n3A_91 : vector<1x512xi1>, vector<1x512xi32>
    %min3A_125 = arith.minimumf %min3A_92, %broadcast_in_dim3A_110 : vector<1x512xf32>
    %swap3A = arith.constant 0 : index
    %swap3A_126 = arith.constant 0 : index
    %swap3A_127 = arith.constant 0 : index
    %swap3A_128 = vector.load %arg6[%swap3A, %swap3A_126, %swap3A_127] : memref<1x1x512xi32, #tpu.memory_space<vmem>>, vector<1x1x512xi32>
    %swap3A_129 = vector.shape_cast %swap3A_128 : vector<1x1x512xi32> to vector<1x512xi32>
    %swap3A_130 = vector.shape_cast %select_n3A_124 : vector<1x512xi32> to vector<1x1x512xi32>
    tpu.vector_store %arg6[%swap3A, %swap3A_126, %swap3A_127], %swap3A_130 {strides = array<i32>} : memref<1x1x512xi32, #tpu.memory_space<vmem>>, vector<1x1x512xi32>,
    %reduce_sum3A = arith.constant dense<0.000000e+00> : vector<1xf32>
    %reduce_sum3A_131 = vector.multi_reduction <add>, %min3A_125, %reduce_sum3A [1] : vector<1x512xf32> to vector<1xf32>
    %broadcast_in_dim3A_132 = vector.shape_cast %reduce_sum3A_131 : vector<1xf32> to vector<1x1xf32>
    %eq3A_133 = arith.constant 0 : i32
    %eq3A_134 = arith.cmpi eq, %arg0, %eq3A_133 : i32
    %eq3A_135 = arith.constant 0 : i32
    %eq3A_136 = arith.cmpi eq, %arg1, %eq3A_135 : i32
    %and3A = arith.andi %eq3A_134, %eq3A_136 : i1
    %convert_element_type3A = arith.extui %and3A : i1 to i32
    %cond3A = arith.constant 0 : i32
    %cond3A_137 = arith.cmpi ne, %convert_element_type3A, %cond3A : i32
    scf.if %cond3A_137 {
      %broadcast_in_dim3A_153 = arith.constant 0.000000e+00 : f32
      %broadcast_in_dim3A_154 = vector.broadcast %broadcast_in_dim3A_153 : f32 to vector<1x1xf32>
      %swap3A_155 = arith.constant 0 : index
      %swap3A_156 = arith.constant 0 : index
      %swap3A_157 = vector.load %arg7[%swap3A_155, %swap3A_156] : memref<1x1xf32, #tpu.memory_space<vmem>>, vector<1x1xf32>
      tpu.vector_store %arg7[%swap3A_155, %swap3A_156], %broadcast_in_dim3A_154 {strides = array<i32>} : memref<1x1xf32, #tpu.memory_space<vmem>>, vector<1x1xf32>,
    } else {
    }
    %get3A_138 = arith.constant 0 : index
    %get3A_139 = arith.constant 0 : index
    %get3A_140 = vector.load %arg7[%get3A_138, %get3A_139] : memref<1x1xf32, #tpu.memory_space<vmem>>, vector<1x1xf32>
    %add3A_141 = arith.addf %get3A_140, %broadcast_in_dim3A_132 : vector<1x1xf32>
    %swap3A_142 = arith.constant 0 : index
    %swap3A_143 = arith.constant 0 : index
    %swap3A_144 = vector.load %arg7[%swap3A_142, %swap3A_143] : memref<1x1xf32, #tpu.memory_space<vmem>>, vector<1x1xf32>
    tpu.vector_store %arg7[%swap3A_142, %swap3A_143], %add3A_141 {strides = array<i32>} : memref<1x1xf32, #tpu.memory_space<vmem>>, vector<1x1xf32>,
    %eq3A_145 = arith.constant 0 : i32
    %eq3A_146 = arith.cmpi eq, %arg0, %eq3A_145 : i32
    %eq3A_147 = arith.constant 0 : i32
    %eq3A_148 = arith.cmpi eq, %arg1, %eq3A_147 : i32
    %and3A_149 = arith.andi %eq3A_146, %eq3A_148 : i1
    %convert_element_type3A_150 = arith.extui %and3A_149 : i1 to i32
    %cond3A_151 = arith.constant 0 : i32
    %cond3A_152 = arith.cmpi ne, %convert_element_type3A_150, %cond3A_151 : i32
    scf.if %cond3A_152 {
      %get3A_153 = arith.constant 0 : index
      %get3A_154 = arith.constant 0 : index
      %get3A_155 = vector.load %arg3[%get3A_153, %get3A_154] : memref<1024x64xf32, #tpu.memory_space<vmem>>, vector<1024x64xf32>
      %transpose3A = tpu.transpose %get3A_155, [1, 0] : vector<1024x64xf32> -> vector<64x1024xf32>
      %swap3A_156 = arith.constant 0 : index
      %swap3A_157 = arith.constant 0 : index
      %swap3A_158 = vector.load %arg8[%swap3A_156, %swap3A_157] : memref<64x1024xf32, #tpu.memory_space<vmem>>, vector<64x1024xf32>
      tpu.vector_store %arg8[%swap3A_156, %swap3A_157], %transpose3A {strides = array<i32>} : memref<64x1024xf32, #tpu.memory_space<vmem>>, vector<64x1024xf32>,
    } else {
    }
    return
  }
  func.func @transform_0(%arg0: i32, %arg1: i32) -> (i32, i32, i32) {
    %add3A = arith.constant 0 : i32
    %add3A_0 = arith.addi %arg0, %add3A : i32
    %c0_i32 = arith.constant 0 : i32
    %c0_i32_1 = arith.constant 0 : i32
    return %add3A_0, %c0_i32, %arg1 : i32, i32, i32
  }
  func.func @transform_1(%arg0: i32, %arg1: i32) -> (i32, i32) {
    %c0_i32 = arith.constant 0 : i32
    %c0_i32_0 = arith.constant 0 : i32
    %c0_i32_1 = arith.constant 0 : i32
    return %c0_i32, %c0_i32_0 : i32, i32
  }
  func.func @transform_2(%arg0: i32, %arg1: i32) -> (i32, i32) {
    %c0_i32 = arith.constant 0 : i32
    %c0_i32_0 = arith.constant 0 : i32
    %c0_i32_1 = arith.constant 0 : i32
    return %c0_i32, %c0_i32_0 : i32, i32
  }
  func.func @transform_3(%arg0: i32, %arg1: i32) -> (i32, i32, i32) {
    %add3A = arith.constant 0 : i32
    %add3A_0 = arith.addi %arg0, %add3A : i32
    %c0_i32 = arith.constant 0 : i32
    %c0_i32_1 = arith.constant 0 : i32
    return %add3A_0, %c0_i32, %arg1 : i32, i32, i32
  }
  func.func @transform_4(%arg0: i32, %arg1: i32) -> (i32, i32, i32) {
    %c0_i32 = arith.constant 0 : i32
    %c0_i32_0 = arith.constant 0 : i32
    return %arg0, %c0_i32, %arg1 : i32, i32, i32
  }
  func.func @transform_5(%arg0: i32, %arg1: i32) -> (i32, i32) {
    %c0_i32 = arith.constant 0 : i32
    %c0_i32_0 = arith.constant 0 : i32
    %c0_i32_1 = arith.constant 0 : i32
    return %c0_i32, %c0_i32_0 : i32, i32
  }
  func.func @transform_6(%arg0: i32, %arg1: i32) -> (i32, i32) {
    %c0_i32 = arith.constant 0 : i32
    %c0_i32_0 = arith.constant 0 : i32
    %c0_i32_1 = arith.constant 0 : i32
    return %c0_i32, %c0_i32_0 : i32, i32
  }
}

module attributes {stable_mosaic.version = 14 : i64} {
  func.func @_dist_body(%arg0: i32, %arg1: i32, %arg2: memref<1x64x512xf32, #tpu.memory_space<vmem>>, %arg3: memref<1024x64xf32, #tpu.memory_space<vmem>>, %arg4: memref<1024x1xf32, #tpu.memory_space<vmem>>, %arg5: memref<1x1x512xf32, #tpu.memory_space<vmem>>, %arg6: memref<1x1x512xi32, #tpu.memory_space<vmem>>, %arg7: memref<1x1xf32, #tpu.memory_space<vmem>>) attributes {dimension_semantics = [#tpu.dimension_semantics<arbitrary>, #tpu.dimension_semantics<arbitrary>], iteration_bounds = array<i64: 4, 2>, scalar_prefetch = 0 : i64, scratch_operands = 0 : i64, tpu.core_type = #tpu.core_type<tc>, window_params = [{transform_indices = @transform_0, window_bounds = array<i64: 1, 64, 512>}, {pipeline_mode = #tpu.pipeline_mode<synchronous>, transform_indices = @transform_1, window_bounds = array<i64: 1024, 64>}, {pipeline_mode = #tpu.pipeline_mode<synchronous>, transform_indices = @transform_2, window_bounds = array<i64: 1024, 1>}, {transform_indices = @transform_3, window_bounds = array<i64: 1, 1, 512>}, {transform_indices = @transform_4, window_bounds = array<i64: 1, 1, 512>}, {pipeline_mode = #tpu.pipeline_mode<synchronous>, transform_indices = @transform_5, window_bounds = array<i64: 1, 1>}]} {
    %get3A = arith.constant 0 : index
    %get3A_0 = arith.constant 0 : index
    %get3A_1 = arith.constant 0 : index
    %get3A_2 = vector.load %arg2[%get3A, %get3A_0, %get3A_1] : memref<1x64x512xf32, #tpu.memory_space<vmem>>, vector<1x64x512xf32>
    %get3A_3 = vector.shape_cast %get3A_2 : vector<1x64x512xf32> to vector<64x512xf32>
    %get3A_4 = arith.constant 0 : index
    %get3A_5 = arith.constant 0 : index
    %get3A_6 = arith.constant 0 : index
    %get3A_7 = vector.load %arg5[%get3A_4, %get3A_5, %get3A_6] : memref<1x1x512xf32, #tpu.memory_space<vmem>>, vector<1x1x512xf32>
    %get3A_8 = vector.shape_cast %get3A_7 : vector<1x1x512xf32> to vector<1x512xf32>
    %get3A_9 = arith.constant 0 : index
    %get3A_10 = arith.constant 0 : index
    %get3A_11 = vector.load %arg3[%get3A_9, %get3A_10] : memref<1024x64xf32, #tpu.memory_space<vmem>>, vector<256x64xf32>
    %dot_general3A = arith.constant dense<0.000000e+00> : vector<256x512xf32>
    %dot_general3A_12 = tpu.matmul %get3A_11, %get3A_3, %dot_general3A {dimension_numbers = #tpu.dot_dimension_numbers<[1], [0], [0], [1], [0, 0, 1, 1], [], []>, transpose_lhs_hint = false} : vector<256x64xf32>, vector<64x512xf32>, vector<256x512xf32> -> vector<256x512xf32>
    %get3A_13 = arith.constant 0 : index
    %get3A_14 = arith.constant 0 : index
    %get3A_15 = vector.load %arg4[%get3A_13, %get3A_14] : memref<1024x1xf32, #tpu.memory_space<vmem>>, vector<256x1xf32>
    %add3A = vector.broadcast %get3A_8 : vector<1x512xf32> to vector<256x512xf32>
    %add3A_16 = vector.broadcast %get3A_15 : vector<256x1xf32> to vector<256x512xf32>
    %add3A_17 = arith.addf %add3A, %add3A_16 : vector<256x512xf32>
    %mul3A = arith.constant 2.000000e+00 : f32
    %mul3A_18 = vector.broadcast %mul3A : f32 to vector<256x512xf32>
    %mul3A_19 = arith.mulf %mul3A_18, %dot_general3A_12 : vector<256x512xf32>
    %sub3A = arith.subf %add3A_17, %mul3A_19 : vector<256x512xf32>
    %reduce_min3A = arith.constant dense<0x7F800000> : vector<512xf32>
    %reduce_min3A_20 = vector.multi_reduction <minimumf>, %sub3A, %reduce_min3A [0] : vector<256x512xf32> to vector<512xf32>
    %broadcast_in_dim3A = vector.shape_cast %reduce_min3A_20 : vector<512xf32> to vector<1x512xf32>
    %iota3A = tpu.iota {dimensions = array<i32: 0>} : vector<256x512xi32>
    %eq3A = vector.broadcast %broadcast_in_dim3A : vector<1x512xf32> to vector<256x512xf32>
    %eq3A_21 = arith.cmpf oeq, %sub3A, %eq3A : vector<256x512xf32>
    %jit3A = arith.constant 1024 : i32
    %broadcast_in_dim3A_22 = vector.broadcast %jit3A : i32 to vector<256x512xi32>
    %select_n3A = arith.select %eq3A_21, %iota3A, %broadcast_in_dim3A_22 : vector<256x512xi1>, vector<256x512xi32>
    %reduce_min3A_23 = arith.constant dense<2147483647> : vector<512xi32>
    %reduce_min3A_24 = vector.multi_reduction <minsi>, %select_n3A, %reduce_min3A_23 [0] : vector<256x512xi32> to vector<512xi32>
    %broadcast_in_dim3A_25 = vector.shape_cast %reduce_min3A_24 : vector<512xi32> to vector<1x512xi32>
    %add3A_26 = arith.constant 0 : i32
    %add3A_27 = vector.broadcast %add3A_26 : i32 to vector<1x512xi32>
    %add3A_28 = arith.addi %broadcast_in_dim3A_25, %add3A_27 : vector<1x512xi32>
    %get3A_29 = arith.constant 256 : index
    %get3A_30 = arith.constant 0 : index
    %get3A_31 = vector.load %arg3[%get3A_29, %get3A_30] : memref<1024x64xf32, #tpu.memory_space<vmem>>, vector<256x64xf32>
    %dot_general3A_32 = arith.constant dense<0.000000e+00> : vector<256x512xf32>
    %dot_general3A_33 = tpu.matmul %get3A_31, %get3A_3, %dot_general3A_32 {dimension_numbers = #tpu.dot_dimension_numbers<[1], [0], [0], [1], [0, 0, 1, 1], [], []>, transpose_lhs_hint = false} : vector<256x64xf32>, vector<64x512xf32>, vector<256x512xf32> -> vector<256x512xf32>
    %get3A_34 = arith.constant 256 : index
    %get3A_35 = arith.constant 0 : index
    %get3A_36 = vector.load %arg4[%get3A_34, %get3A_35] : memref<1024x1xf32, #tpu.memory_space<vmem>>, vector<256x1xf32>
    %add3A_37 = vector.broadcast %get3A_8 : vector<1x512xf32> to vector<256x512xf32>
    %add3A_38 = vector.broadcast %get3A_36 : vector<256x1xf32> to vector<256x512xf32>
    %add3A_39 = arith.addf %add3A_37, %add3A_38 : vector<256x512xf32>
    %mul3A_40 = arith.constant 2.000000e+00 : f32
    %mul3A_41 = vector.broadcast %mul3A_40 : f32 to vector<256x512xf32>
    %mul3A_42 = arith.mulf %mul3A_41, %dot_general3A_33 : vector<256x512xf32>
    %sub3A_43 = arith.subf %add3A_39, %mul3A_42 : vector<256x512xf32>
    %reduce_min3A_44 = arith.constant dense<0x7F800000> : vector<512xf32>
    %reduce_min3A_45 = vector.multi_reduction <minimumf>, %sub3A_43, %reduce_min3A_44 [0] : vector<256x512xf32> to vector<512xf32>
    %broadcast_in_dim3A_46 = vector.shape_cast %reduce_min3A_45 : vector<512xf32> to vector<1x512xf32>
    %iota3A_47 = tpu.iota {dimensions = array<i32: 0>} : vector<256x512xi32>
    %eq3A_48 = vector.broadcast %broadcast_in_dim3A_46 : vector<1x512xf32> to vector<256x512xf32>
    %eq3A_49 = arith.cmpf oeq, %sub3A_43, %eq3A_48 : vector<256x512xf32>
    %jit3A_50 = arith.constant 1024 : i32
    %broadcast_in_dim3A_51 = vector.broadcast %jit3A_50 : i32 to vector<256x512xi32>
    %select_n3A_52 = arith.select %eq3A_49, %iota3A_47, %broadcast_in_dim3A_51 : vector<256x512xi1>, vector<256x512xi32>
    %reduce_min3A_53 = arith.constant dense<2147483647> : vector<512xi32>
    %reduce_min3A_54 = vector.multi_reduction <minsi>, %select_n3A_52, %reduce_min3A_53 [0] : vector<256x512xi32> to vector<512xi32>
    %broadcast_in_dim3A_55 = vector.shape_cast %reduce_min3A_54 : vector<512xi32> to vector<1x512xi32>
    %add3A_56 = arith.constant 256 : i32
    %add3A_57 = vector.broadcast %add3A_56 : i32 to vector<1x512xi32>
    %add3A_58 = arith.addi %broadcast_in_dim3A_55, %add3A_57 : vector<1x512xi32>
    %lt3A = arith.cmpf olt, %broadcast_in_dim3A_46, %broadcast_in_dim3A : vector<1x512xf32>
    %select_n3A_59 = arith.select %lt3A, %add3A_58, %add3A_28 : vector<1x512xi1>, vector<1x512xi32>
    %min3A = arith.minimumf %broadcast_in_dim3A, %broadcast_in_dim3A_46 : vector<1x512xf32>
    %get3A_60 = arith.constant 512 : index
    %get3A_61 = arith.constant 0 : index
    %get3A_62 = vector.load %arg3[%get3A_60, %get3A_61] : memref<1024x64xf32, #tpu.memory_space<vmem>>, vector<256x64xf32>
    %dot_general3A_63 = arith.constant dense<0.000000e+00> : vector<256x512xf32>
    %dot_general3A_64 = tpu.matmul %get3A_62, %get3A_3, %dot_general3A_63 {dimension_numbers = #tpu.dot_dimension_numbers<[1], [0], [0], [1], [0, 0, 1, 1], [], []>, transpose_lhs_hint = false} : vector<256x64xf32>, vector<64x512xf32>, vector<256x512xf32> -> vector<256x512xf32>
    %get3A_65 = arith.constant 512 : index
    %get3A_66 = arith.constant 0 : index
    %get3A_67 = vector.load %arg4[%get3A_65, %get3A_66] : memref<1024x1xf32, #tpu.memory_space<vmem>>, vector<256x1xf32>
    %add3A_68 = vector.broadcast %get3A_8 : vector<1x512xf32> to vector<256x512xf32>
    %add3A_69 = vector.broadcast %get3A_67 : vector<256x1xf32> to vector<256x512xf32>
    %add3A_70 = arith.addf %add3A_68, %add3A_69 : vector<256x512xf32>
    %mul3A_71 = arith.constant 2.000000e+00 : f32
    %mul3A_72 = vector.broadcast %mul3A_71 : f32 to vector<256x512xf32>
    %mul3A_73 = arith.mulf %mul3A_72, %dot_general3A_64 : vector<256x512xf32>
    %sub3A_74 = arith.subf %add3A_70, %mul3A_73 : vector<256x512xf32>
    %reduce_min3A_75 = arith.constant dense<0x7F800000> : vector<512xf32>
    %reduce_min3A_76 = vector.multi_reduction <minimumf>, %sub3A_74, %reduce_min3A_75 [0] : vector<256x512xf32> to vector<512xf32>
    %broadcast_in_dim3A_77 = vector.shape_cast %reduce_min3A_76 : vector<512xf32> to vector<1x512xf32>
    %iota3A_78 = tpu.iota {dimensions = array<i32: 0>} : vector<256x512xi32>
    %eq3A_79 = vector.broadcast %broadcast_in_dim3A_77 : vector<1x512xf32> to vector<256x512xf32>
    %eq3A_80 = arith.cmpf oeq, %sub3A_74, %eq3A_79 : vector<256x512xf32>
    %jit3A_81 = arith.constant 1024 : i32
    %broadcast_in_dim3A_82 = vector.broadcast %jit3A_81 : i32 to vector<256x512xi32>
    %select_n3A_83 = arith.select %eq3A_80, %iota3A_78, %broadcast_in_dim3A_82 : vector<256x512xi1>, vector<256x512xi32>
    %reduce_min3A_84 = arith.constant dense<2147483647> : vector<512xi32>
    %reduce_min3A_85 = vector.multi_reduction <minsi>, %select_n3A_83, %reduce_min3A_84 [0] : vector<256x512xi32> to vector<512xi32>
    %broadcast_in_dim3A_86 = vector.shape_cast %reduce_min3A_85 : vector<512xi32> to vector<1x512xi32>
    %add3A_87 = arith.constant 512 : i32
    %add3A_88 = vector.broadcast %add3A_87 : i32 to vector<1x512xi32>
    %add3A_89 = arith.addi %broadcast_in_dim3A_86, %add3A_88 : vector<1x512xi32>
    %lt3A_90 = arith.cmpf olt, %broadcast_in_dim3A_77, %min3A : vector<1x512xf32>
    %select_n3A_91 = arith.select %lt3A_90, %add3A_89, %select_n3A_59 : vector<1x512xi1>, vector<1x512xi32>
    %min3A_92 = arith.minimumf %min3A, %broadcast_in_dim3A_77 : vector<1x512xf32>
    %get3A_93 = arith.constant 768 : index
    %get3A_94 = arith.constant 0 : index
    %get3A_95 = vector.load %arg3[%get3A_93, %get3A_94] : memref<1024x64xf32, #tpu.memory_space<vmem>>, vector<256x64xf32>
    %dot_general3A_96 = arith.constant dense<0.000000e+00> : vector<256x512xf32>
    %dot_general3A_97 = tpu.matmul %get3A_95, %get3A_3, %dot_general3A_96 {dimension_numbers = #tpu.dot_dimension_numbers<[1], [0], [0], [1], [0, 0, 1, 1], [], []>, transpose_lhs_hint = false} : vector<256x64xf32>, vector<64x512xf32>, vector<256x512xf32> -> vector<256x512xf32>
    %get3A_98 = arith.constant 768 : index
    %get3A_99 = arith.constant 0 : index
    %get3A_100 = vector.load %arg4[%get3A_98, %get3A_99] : memref<1024x1xf32, #tpu.memory_space<vmem>>, vector<256x1xf32>
    %add3A_101 = vector.broadcast %get3A_8 : vector<1x512xf32> to vector<256x512xf32>
    %add3A_102 = vector.broadcast %get3A_100 : vector<256x1xf32> to vector<256x512xf32>
    %add3A_103 = arith.addf %add3A_101, %add3A_102 : vector<256x512xf32>
    %mul3A_104 = arith.constant 2.000000e+00 : f32
    %mul3A_105 = vector.broadcast %mul3A_104 : f32 to vector<256x512xf32>
    %mul3A_106 = arith.mulf %mul3A_105, %dot_general3A_97 : vector<256x512xf32>
    %sub3A_107 = arith.subf %add3A_103, %mul3A_106 : vector<256x512xf32>
    %reduce_min3A_108 = arith.constant dense<0x7F800000> : vector<512xf32>
    %reduce_min3A_109 = vector.multi_reduction <minimumf>, %sub3A_107, %reduce_min3A_108 [0] : vector<256x512xf32> to vector<512xf32>
    %broadcast_in_dim3A_110 = vector.shape_cast %reduce_min3A_109 : vector<512xf32> to vector<1x512xf32>
    %iota3A_111 = tpu.iota {dimensions = array<i32: 0>} : vector<256x512xi32>
    %eq3A_112 = vector.broadcast %broadcast_in_dim3A_110 : vector<1x512xf32> to vector<256x512xf32>
    %eq3A_113 = arith.cmpf oeq, %sub3A_107, %eq3A_112 : vector<256x512xf32>
    %jit3A_114 = arith.constant 1024 : i32
    %broadcast_in_dim3A_115 = vector.broadcast %jit3A_114 : i32 to vector<256x512xi32>
    %select_n3A_116 = arith.select %eq3A_113, %iota3A_111, %broadcast_in_dim3A_115 : vector<256x512xi1>, vector<256x512xi32>
    %reduce_min3A_117 = arith.constant dense<2147483647> : vector<512xi32>
    %reduce_min3A_118 = vector.multi_reduction <minsi>, %select_n3A_116, %reduce_min3A_117 [0] : vector<256x512xi32> to vector<512xi32>
    %broadcast_in_dim3A_119 = vector.shape_cast %reduce_min3A_118 : vector<512xi32> to vector<1x512xi32>
    %add3A_120 = arith.constant 768 : i32
    %add3A_121 = vector.broadcast %add3A_120 : i32 to vector<1x512xi32>
    %add3A_122 = arith.addi %broadcast_in_dim3A_119, %add3A_121 : vector<1x512xi32>
    %lt3A_123 = arith.cmpf olt, %broadcast_in_dim3A_110, %min3A_92 : vector<1x512xf32>
    %select_n3A_124 = arith.select %lt3A_123, %add3A_122, %select_n3A_91 : vector<1x512xi1>, vector<1x512xi32>
    %min3A_125 = arith.minimumf %min3A_92, %broadcast_in_dim3A_110 : vector<1x512xf32>
    %swap3A = arith.constant 0 : index
    %swap3A_126 = arith.constant 0 : index
    %swap3A_127 = arith.constant 0 : index
    %swap3A_128 = vector.load %arg6[%swap3A, %swap3A_126, %swap3A_127] : memref<1x1x512xi32, #tpu.memory_space<vmem>>, vector<1x1x512xi32>
    %swap3A_129 = vector.shape_cast %swap3A_128 : vector<1x1x512xi32> to vector<1x512xi32>
    %swap3A_130 = vector.shape_cast %select_n3A_124 : vector<1x512xi32> to vector<1x1x512xi32>
    tpu.vector_store %arg6[%swap3A, %swap3A_126, %swap3A_127], %swap3A_130 {strides = array<i32>} : memref<1x1x512xi32, #tpu.memory_space<vmem>>, vector<1x1x512xi32>,
    %reduce_sum3A = arith.constant dense<0.000000e+00> : vector<1xf32>
    %reduce_sum3A_131 = vector.multi_reduction <add>, %min3A_125, %reduce_sum3A [1] : vector<1x512xf32> to vector<1xf32>
    %broadcast_in_dim3A_132 = vector.shape_cast %reduce_sum3A_131 : vector<1xf32> to vector<1x1xf32>
    %eq3A_133 = arith.constant 0 : i32
    %eq3A_134 = arith.cmpi eq, %arg0, %eq3A_133 : i32
    %eq3A_135 = arith.constant 0 : i32
    %eq3A_136 = arith.cmpi eq, %arg1, %eq3A_135 : i32
    %and3A = arith.andi %eq3A_134, %eq3A_136 : i1
    %convert_element_type3A = arith.extui %and3A : i1 to i32
    %cond3A = arith.constant 0 : i32
    %cond3A_137 = arith.cmpi ne, %convert_element_type3A, %cond3A : i32
    scf.if %cond3A_137 {
      %broadcast_in_dim3A_145 = arith.constant 0.000000e+00 : f32
      %broadcast_in_dim3A_146 = vector.broadcast %broadcast_in_dim3A_145 : f32 to vector<1x1xf32>
      %swap3A_147 = arith.constant 0 : index
      %swap3A_148 = arith.constant 0 : index
      %swap3A_149 = vector.load %arg7[%swap3A_147, %swap3A_148] : memref<1x1xf32, #tpu.memory_space<vmem>>, vector<1x1xf32>
      tpu.vector_store %arg7[%swap3A_147, %swap3A_148], %broadcast_in_dim3A_146 {strides = array<i32>} : memref<1x1xf32, #tpu.memory_space<vmem>>, vector<1x1xf32>,
    } else {
    }
    %get3A_138 = arith.constant 0 : index
    %get3A_139 = arith.constant 0 : index
    %get3A_140 = vector.load %arg7[%get3A_138, %get3A_139] : memref<1x1xf32, #tpu.memory_space<vmem>>, vector<1x1xf32>
    %add3A_141 = arith.addf %get3A_140, %broadcast_in_dim3A_132 : vector<1x1xf32>
    %swap3A_142 = arith.constant 0 : index
    %swap3A_143 = arith.constant 0 : index
    %swap3A_144 = vector.load %arg7[%swap3A_142, %swap3A_143] : memref<1x1xf32, #tpu.memory_space<vmem>>, vector<1x1xf32>
    tpu.vector_store %arg7[%swap3A_142, %swap3A_143], %add3A_141 {strides = array<i32>} : memref<1x1xf32, #tpu.memory_space<vmem>>, vector<1x1xf32>,
    return
  }
  func.func @transform_0(%arg0: i32, %arg1: i32) -> (i32, i32, i32) {
    %add3A = arith.constant 8 : i32
    %add3A_0 = arith.addi %arg0, %add3A : i32
    %c0_i32 = arith.constant 0 : i32
    %c0_i32_1 = arith.constant 0 : i32
    return %add3A_0, %c0_i32, %arg1 : i32, i32, i32
  }
  func.func @transform_1(%arg0: i32, %arg1: i32) -> (i32, i32) {
    %c0_i32 = arith.constant 0 : i32
    %c0_i32_0 = arith.constant 0 : i32
    %c0_i32_1 = arith.constant 0 : i32
    return %c0_i32, %c0_i32_0 : i32, i32
  }
  func.func @transform_2(%arg0: i32, %arg1: i32) -> (i32, i32) {
    %c0_i32 = arith.constant 0 : i32
    %c0_i32_0 = arith.constant 0 : i32
    %c0_i32_1 = arith.constant 0 : i32
    return %c0_i32, %c0_i32_0 : i32, i32
  }
  func.func @transform_3(%arg0: i32, %arg1: i32) -> (i32, i32, i32) {
    %add3A = arith.constant 8 : i32
    %add3A_0 = arith.addi %arg0, %add3A : i32
    %c0_i32 = arith.constant 0 : i32
    %c0_i32_1 = arith.constant 0 : i32
    return %add3A_0, %c0_i32, %arg1 : i32, i32, i32
  }
  func.func @transform_4(%arg0: i32, %arg1: i32) -> (i32, i32, i32) {
    %c0_i32 = arith.constant 0 : i32
    %c0_i32_0 = arith.constant 0 : i32
    return %arg0, %c0_i32, %arg1 : i32, i32, i32
  }
  func.func @transform_5(%arg0: i32, %arg1: i32) -> (i32, i32) {
    %c0_i32 = arith.constant 0 : i32
    %c0_i32_0 = arith.constant 0 : i32
    %c0_i32_1 = arith.constant 0 : i32
    return %c0_i32, %c0_i32_0 : i32, i32
  }
}

</mosaic_0001>

<sc_bundles>
// kernel: kernel.11.cloned.1.call-start
scs
__scs_entry_jumppad:
0x0: {  	(pc) =	sbr.rel $0x88, $3  }
0x1: {  	(tag) =	ssettag $0x0;
	lr =	simm.s32 $0x1  }
0x2: {  	[smem:$0x3F9F] =	sst lr;
	_ =	strace $0xD0000000  }
0x3: {  	_ = 	snop  }
0x4: {  	_ = 	snop  }
0x5: {  	_ = 	snop  }
0x6: {  	_ = 	snop  }
0x7: {  	_ = 	snop  }
__scs_overlays_trampoline_lowered:
0x8: {  	[smem:$0x3FAE] =	sst s0  }
0x9: {  	[smem:$0x3FAF] =	sst s1  }
0xa: {  	[smem:$0x3FB0] =	sst s2  }
0xb: {  	[smem:$0x3FB1] =	sst s3  }
0xc: {  	[smem:$0x3FB2] =	sst s4  }
0xd: {  	[smem:$0x3FB3] =	sst s5  }
0xe: {  	[smem:$0x3FB4] =	sst s6  }
0xf: {  	[smem:$0x3FB5] =	sst s7  }
0x10: {  	[smem:$0x3FB6] =	sst s8  }
0x11: {  	[smem:$0x3FB7] =	sst s9;
	s0 =	simm.s32 @!p0 $0x0  }
0x12: {  	s1 =	sld [smem:$0x3F9D];
	s0 =	simm.s32 @p0 $0x1  }
0x13: {  	[smem:$0x3FB8] =	sst s0;
	s0 =	simm.s32 @!p1 $0x0  }
0x14: {  	s2 =	sld [smem:$0x3F9C];
	s0 =	simm.s32 @p1 $0x1  }
0x15: {  	[smem:$0x3FB9] =	sst s0;
	s0 =	simm.s32 @!p2 $0x0  }
0x16: {  	s3 =	sld [smem:$0x3FDB];
	s0 =	simm.s32 @p2 $0x1  }
0x17: {  	s4 =	simm.s32 $0x1BF5;
	[smem:$0x3FBB] =	sst s0  }
0x18: {  	s0 =	sld [smem:$0x3F9E];
	_ =	swait.ge [sflag:s4], $0x0  }
0x19: {  	s7 =	sld [smem:$0x3F9F]  }
0x1a: {  	s8 =	sadd.s32 $0xFFFFE003, lr  }
0x1b: {  	s9 =	sadd.s32 $0xFFFFFEF7, lr;
	s5 =	simm.s32 $0xFFFFFFFF;
	p2 =	slt.u32 s8, $0xFFFFF086  }
0x1c: {  	p1 =	slt.u32 s9, $0xF7A;
	s5 =	simm.s32 @!p2 $0x0  }
0x1d: {  	s5 =	simm.s32 @p1 $0x1;
	p0 =	seq.s32 s7, s2  }
0x1e: {  	s7 =	smul.u32 @!p0 $0xF7A, s2;
	p2 =	seq.s32 @!p0 s5, $0x0  }
0x1f: {  	s9 =	smul.u32 $0xF7A, s1;
	s8 =	simm.s32 @!p0 $0x1BF5;
	p2 =	por !p2, p0  }
0x20: {  	[sflag:s8] =	ssyncset.s32 @!p0 $0xFFFFF086;
	s6 =	sadd.s32 @!p0 s3, s7;
	s7 =	simm.s32 @!p0 $0x108  }
0x21: {  	s3 =	sadd.s32 s3, s9;
	s6 =	sadd.s32 @!p0 $0x88, s6;
	s7 =	simm.s32 @p2 $0x1082  }
0x22: {  	[simem:s7], [sflag:s8] =	dma.local @!p0 [hbm:s6], $0xF7A  }
0x23: {  	s9 =	sor.u32 $0xD0000000, s2;
	s6 =	simm.s32 $0x108;
	_ =	swait.ge @!p0 [sflag:s8], $0x0  }
0x24: {  	s3 =	sadd.s32 $0x88, s3;
	s6 =	simm.s32 @!p1 $0x1082;
	[sflag:s4] =	ssyncset.s32 $0xFFFFF086  }
0x25: {  	[simem:s6], [sflag:s4] =	dma.local [hbm:s3], $0xF7A  }
0x26: {  	[smem:$0x3F9F] =	sst s1;
	(tag) =	ssettag s2;
	_ =	strace s9  }
0x27: {  	s1 =	sld [smem:$0x3FAF]  }
0x28: {  	s2 =	sld [smem:$0x3FB0]  }
0x29: {  	s4 =	sld [smem:$0x3FB2]  }
0x2a: {  	p0 =	seq.s32 s5, $0x0;
	s5 =	sld [smem:$0x3FB3]  }
0x2b: {  	s6 =	sld [smem:$0x3FB4]  }
0x2c: {  	s7 =	sld [smem:$0x3FB5]  }
0x2d: {  	s3 =	simm.s32 $0x108;
	s8 =	sld [smem:$0x3FB6]  }
0x2e: {  	s3 =	simm.s32 @!p0 $0x1082;
	s9 =	sld [smem:$0x3FB7]  }
0x2f: {  	lr =	sadd.s32 s0, s3;
	s0 =	sld [smem:$0x3FAE]  }
0x30: {  	s3 =	sld [smem:$0x3FB1]  }
0x31: {  	[smem:$0x3FBA] =	sst s10  }
0x32: {  	s10 =	sld [smem:$0x3FB8];
	_ =	sdelay $0x3  }
0x33: {  	p0 =	seq.s32 s10, $0x1;
	s10 =	sld [smem:$0x3FBA];
	_ =	sdelay $0x3  }
0x34: {  	[smem:$0x3FBA] =	sst s10  }
0x35: {  	s10 =	sld [smem:$0x3FB9];
	_ =	sdelay $0x3  }
0x36: {  	p1 =	seq.s32 s10, $0x1;
	s10 =	sld [smem:$0x3FBA];
	_ =	sdelay $0x3  }
0x37: {  	[smem:$0x3FBA] =	sst s10  }
0x38: {  	s10 =	sld [smem:$0x3FBB]  }
0x39: {  	_ = 	snop;
	(pc) =	sbr.ind lr, $3  }
0x3a: {  	_ = 	snop  }
0x3b: {  	_ = 	snop  }
0x3c: {  	p2 =	seq.s32 s10, $0x1;
	s10 =	sld [smem:$0x3FBA]  }
0x3d: {  	_ =	shalt  }
0x3e: {  	_ =	shalt  }
0x3f: {  	_ =	shalt  }
0x40: {  	_ =	shalt  }
0x41: {  	_ =	shalt  }
0x42: {  	_ =	shalt  }
0x43: {  	_ =	shalt  }
0x44: {  	_ =	shalt  }
0x45: {  	_ =	shalt  }
0x46: {  	_ =	shalt  }
0x47: {  	_ =	shalt  }
0x48: {  	_ =	shalt  }
0x49: {  	_ =	shalt  }
0x4a: {  	_ =	shalt  }
0x4b: {  	_ =	shalt  }
0x4c: {  	_ =	shalt  }
0x4d: {  	_ =	shalt  }
0x4e: {  	_ =	shalt  }
0x4f: {  	_ =	shalt  }
0x50: {  	_ =	shalt  }
0x51: {  	_ =	shalt  }
0x52: {  	_ =	shalt  }
0x53: {  	_ =	shalt  }
0x54: {  	_ =	shalt  }
0x55: {  	_ =	shalt  }
0x56: {  	_ =	shalt  }
0x57: {  	_ =	shalt  }
0x58: {  	_ =	shalt  }
0x59: {  	_ =	shalt  }
0x5a: {  	_ =	shalt  }
0x5b: {  	_ =	shalt  }
0x5c: {  	_ =	shalt  }
0x5d: {  	_ =	shalt  }
0x5e: {  	_ =	shalt  }
0x5f: {  	_ =	shalt  }
0x60: {  	_ =	shalt  }
0x61: {  	_ =	shalt  }
0x62: {  	_ =	shalt  }
0x63: {  	_ =	shalt  }
0x64: {  	_ =	shalt  }
0x65: {  	_ =	shalt  }
0x66: {  	_ =	shalt  }
0x67: {  	_ =	shalt  }
0x68: {  	_ =	shalt  }
0x69: {  	_ =	shalt  }
0x6a: {  	_ =	shalt  }
0x6b: {  	_ =	shalt  }
0x6c: {  	_ =	shalt  }
0x6d: {  	_ =	shalt  }
0x6e: {  	_ =	shalt  }
0x6f: {  	_ =	shalt  }
0x70: {  	_ =	shalt  }
0x71: {  	_ =	shalt  }
0x72: {  	_ =	shalt  }
0x73: {  	_ =	shalt  }
0x74: {  	_ =	shalt  }
0x75: {  	_ =	shalt  }
0x76: {  	_ =	shalt  }
0x77: {  	_ =	shalt  }
0x78: {  	_ =	shalt  }
0x79: {  	_ =	shalt  }
0x7a: {  	_ =	shalt  }
0x7b: {  	_ =	shalt  }
0x7c: {  	_ =	shalt  }
0x7d: {  	_ =	shalt  }
0x7e: {  	_ =	shalt  }
0x7f: {  	_ =	shalt  }
0x80: {  	_ =	shalt  }
0x81: {  	_ =	shalt  }
0x82: {  	_ =	shalt  }
0x83: {  	_ =	shalt  }
0x84: {  	_ =	shalt  }
0x85: {  	_ =	shalt  }
0x86: {  	_ =	shalt  }
0x87: {  	_ =	shalt  }
.Lfunc_end0:
.L_simem_size_0:
called_computation.1_lowered:
.L_overlay_start_0:
0x88: {  	s2 =	sld [smem:$0x3FD9]  }
0x89: {  	s3 =	sld [smem:$0x3FFE];
	_ =	sdelay $0x1  }
0x8a: {  	s1 =	srdreg.scid  }
0x8b: {  	s0 =	sand.u32 $0x1, s1  }
0x8c: {  	s17 =	sshll.u32 s0, $0xA;
	s2 =	sadd.s32 s3, s2  }
0x8d: {  	s2 =	sadd.s32 s2, s17  }
0x8e: {  	[smem:$0x3FC6] =	sst s2  }
0x8f: {  	_ = 	snop  }
0x90: {  	(tm) =	ssettm $0x1  }
0x91: {  	s18 =	sld [smem:$0x3FFB];
	_ =	sdelay $0x3  }
0x92: {  	_ =	strace s18  }
0x93: {  	s2 =	sld [smem:$0x3FFC];
	_ =	sdelay $0x3  }
0x94: {  	_ =	strace s2  }
0x95: {  	s2 =	sld [smem:$0x3FFD];
	_ =	sdelay $0x3  }
0x96: {  	_ =	strace s2  }
0x97: {  	_ =	strace $0x8FFFFFFF  }
0x98: {  	s19 =	sld [smem:$0x3FDB];
	_ =	sdelay $0x1  }
0x99: {  	s20 =	simm.s32 $_scs_section_size  }
0x9a: {  	s4 =	simm.s32 $_size__tile_overlayer_lowered;
	s5 =	simm.s32 $_tile_overlayer_lowered  }
0x9b: {  	s6 =	simm.s32 $0x1BFF;
	s21 =	sshll.u32 s5, $0x1;
	s3 =	sadd.s32 s20, s19  }
0x9c: {  	s22 =	simm.s32 $0x0;
	s4 =	sshll.u32 s4, $0x1;
	s5 =	sadd.s32 s21, s3  }
0x9d: {  	[timem:s22], [sflag:s6] =	dma.local [hbm:s5], s4  }
0x9e: {  	_ =	swait.ge [sflag:s6], s4  }
0x9f: {  	s4 =	ssub.s32 $0x0, s4;
	[sflag:s6] =	ssyncset.done $0x0  }
0xa0: {  	[sflag:s6] =	ssyncadd.s32 s4;
	_ =	sdelay $0x1  }
0xa1: {  	s23 =	simm.s32 $0x1B8B  }
0xa2: {  	_ =	swait.ge [sflag:s23], $0x1  }
0xa3: {  	[sflag:s23] =	ssyncset.done $0x0  }
0xa4: {  	[sflag:s23] =	ssyncadd.s32 $0xFFFFFFFF  }
0xa5: {  	s4 =	sld [smem:$0x0]  }
0xa6: {  	s5 =	sand.u32 $0xFFFFFFFE, s1  }
0xa7: {  	p0 =	sne.s32 s1, s5  }
0xa8: {  	s5 =	sshll.u32 @p0 s5, $0xE  }
0xa9: {  	s5 =	sadd.s32 @p0 $0x11B8D, s5;
	s6 =	sshll.u32 @p0 s4, $0x11  }
0xaa: {  	s5 =	sor.u32 @p0 s6, s5  }
0xab: {  	[sflag:s5] =	ssyncadd.remote.s32 @p0 $0x1;
	_ =	sdelay $0x1  }
0xac: {  	s5 =	simm.s32 @p0 $0x1B8D  }
0xad: {  	_ =	swait.eq @p0 [sflag:s5], $0x1  }
0xae: {  	[sflag:s5] =	ssyncadd.s32 @p0 $0xFFFFFFFF  }
0xaf: {  	s6 =	sshll.u32 @!p0 s1, $0xE  }
0xb0: {  	s6 =	sor.u32 @!p0 $0x4000, s6;
	s5 =	simm.s32 @!p0 $0x1B8D  }
0xb1: {  	s4 =	sshll.u32 @!p0 s4, $0x11;
	s6 =	sadd.s32 @!p0 $0x11B8D, s6;
	_ =	swait.eq @!p0 [sflag:s5], $0x1  }
0xb2: {  	s4 =	sor.u32 @!p0 s4, s6;
	[sflag:s5] =	ssyncadd.s32 @!p0 $0xFFFFFFFF  }
0xb3: {  	s25 =	simm.s32 $0x1B8E;
	s24 =	sld [smem:$0x3FFE];
	[sflag:s4] =	ssyncadd.remote.s32 @!p0 $0x1  }
0xb4: {  	s26 =	simm.s32 $execute0_lowered;
	[smem:$0x3FD2] =	sst s25  }
0xb5: {  	s5 =	sshll.u32 s26, $0x1;
	_ =	strace $0x80000049;
	[dreg:$0x1] =	wrdreg $0xFFFFFFFF  }
0xb6: {  	s28 =	simm.s32 $_size_execute0_lowered;
	s3 =	sadd.s32 s3, s5;
	[dreg:$0x0] =	wrdreg $0x0  }
0xb7: {  	s5 =	sshll.u32 s28, $0x1;
	[dreg:$0x2] =	wrdreg s3  }
0xb8: {  	[dreg:$0x3] =	wrdreg s5  }
0xb9: {  	[dreg:$0x4] =	wrdreg $0xC0  }
0xba: {  	_ =	task [dreg:s22], $0x5FFFF  }
0xbb: {  	[dreg:$0x1] =	wrdreg $0xFFFFFFFF  }
0xbc: {  	[dreg:$0x0] =	wrdreg $0x60  }
0xbd: {  	[dreg:$0x2] =	wrdreg s24  }
0xbe: {  	[dreg:$0x3] =	wrdreg $0xA  }
0xbf: {  	_ =	task.clear_ibuf [dreg:s22], $0x4FFFF;
	_ =	strace $0x90000049  }
0xc0: {  	s29 =	simm.s32 $0xA;
	_ =	strace $0x8000004B  }
0xc1: {  	_ =	swait.ge [sflag:s29], $0x1  }
0xc2: {  	[sflag:s29] =	ssyncadd.s32 $0xFFFFFFFF  }
0xc3: {  	_ =	strace $0x9000004B  }
0xc4: {  	_ =	sfence  }
0xc5: {  	s30 =	sld [smem:$0x0];
	_ =	sdelay $0x2  }
0xc6: {  	s31 =	sshll.u32 s1, $0xD;
	s1 =	sshrl.u32 s1, $0x2  }
0xc7: {  	s4 =	sand.u32 $0x4000, s31;
	s1 =	sadd.s32 s1, s30  }
0xc8: {  	s0 =	sor.u32 s4, s0;
	s1 =	sshll.u32 s1, $0x11  }
0xc9: {  	s0 =	sor.u32 s1, s0  }
0xca: {  	s0 =	sadd.s32 $0x8F2B, s0  }
0xcb: {  	[sflag:s0] =	ssyncadd.remote.s32 $0x1  }
0xcc: {  	_ =	sfence.sel $0xFFFF  }
0xcd: {  	[dreg:$0x0] =	wrdreg $0xFFFFFFFF;
	(pc) =	sbr.abs _section_cstart, $3  }
0xce: {  	[dreg:$0x1] =	wrdreg $0xFFFFFFFF  }
0xcf: {  	_ =	task.clear_ibuf [dreg:s22], $0x2FFFF;
	_ =	strace $0x9FFFFFFF  }
0xd0: {  	(tm) =	ssettm $0x7FFFFFFF  }
0xd1: {  	_ =	shalt  }
tec
execute0_lowered:
.L_overlay_start_1:
0x0: {  	(tag) =	ssettag $0x1  }
0x1: {  	s3 =	rddreg [dreg:$0x0]  }
0x2: {  	s0 =	rddreg [dreg:$0x1]  }
0x3: {  	s1 =	stileid.u32;
	s2 =	simm.s32 $0x0;
	s4 =	srdreg.scid  }
0x4: {  	s9 =	simm.s32 $0x2400;
	s10 =	simm.s32 $0x0;
	s5 =	sshll.u32 s1, $0x1  }
0x5: {  	[smem:$0x7FF] =	sst s2;
	s4 =	sand.u32 $0x1, s4;
	s6 =	sshrl.u32 s1, $0x2  }
0x6: {  	s5 =	sand.u32 $0x6, s5;
	_ =	strace $0x8000004A;
	s7 =	sshll.u32 s6, $0x7  }
0x7: {  	s6 =	sshll.u32 s6, $0xD;
	s5 =	sor.u32 s4, s5;
	s4 =	ssub.s32 $0x2, s4  }
0x8: {  	s7 =	sadd.s32 s7, s3;
	s5 =	sshll.u32 s5, $0xA;
	s8 =	sshrl.u32 s4, $0x1  }
0x9: {  	s5 =	sadd.s32 s5, s3;
	s8 =	ssub.s32 s4, s8;
	s4 =	sadd.s32 $0xBC00, s7  }
0xa: {  	s7 =	simm.s32 $0x400;
	s3 =	sadd.s32 $0x1600, s5;
	s5 =	sadd.s32 s6, s5  }
0xb: {  	s6 =	smax.u32 s8, $0x1;
	s8 =	simm.s32 $0x1;
	s5 =	sadd.s32 $0xBE00, s5  }
.LBB2_1:
0xc: {  	[tilespmem:s7], [sflag:$0x1] =	stream.linear.gather [hbm4b:s3+s2], $0x2000, $0x38;
	[tilespmem:$0x4400] =	vst v63  }
0xd: {  	_ =	swait.ge [sflag:s8], $0x2000  }
0xe: {  	[sflag:s8] =	ssyncset.done $0x0  }
0xf: {  	[sflag:s8] =	ssyncadd.s32 $0xFFFFE000  }
0x10: {  	[tilespmem:s2], [sflag:$0x1] =	stream.linear.gather [hbm4b:s4+s2], $0x400, $0x38;
	[tilespmem:$0x4400] =	vst v63  }
0x11: {  	_ =	swait.ge [sflag:s8], $0x400  }
0x12: {  	[sflag:s8] =	ssyncset.done $0x0  }
0x13: {  	[sflag:s8] =	ssyncadd.s32 $0xFFFFFC00  }
0x14: {  	v0 =	vld [tilespmem:s2+$0x0];
	_ =	sdelay $0x4  }
0x15: {  	v1 =	vshll.u32 v0, $0x3  }
0x16: {  	v0 =	vand.u32 $0x7F, v0;
	v1 =	vand.u32 $0xFFFFFC00, v1  }
0x17: {  	v0 =	vor.u32 v0, v1;
	_ =	sdelay $0x4  }
0x18: {  	v1 =	vld.idx.msk [tilespmem:v0+s7+$0x0], $0xffff  }
0x19: {  	v2 =	vor.u32 $0x80, v0;
	_ =	sdelay $0x1  }
0x1a: {  	s11 =	sand.u32 $0x70, s2;
	s12 =	sand.u32 $0x1C00, s2  }
0x1b: {  	s12 =	sor.u32 s11, s12  }
0x1c: {  	[tilespmem:s12+$0x2400] =	vst v1  }
0x1d: {  	v1 =	vld.idx.msk [tilespmem:v2+s7+$0x0], $0xffff  }
0x1e: {  	v2 =	vor.u32 $0x100, v0;
	_ =	sdelay $0x3  }
0x1f: {  	[tilespmem:s12+$0x2480] =	vst v1  }
0x20: {  	v1 =	vld.idx.msk [tilespmem:v2+s7+$0x0], $0xffff  }
0x21: {  	v2 =	vor.u32 $0x180, v0;
	_ =	sdelay $0x3  }
0x22: {  	[tilespmem:s12+$0x2500] =	vst v1  }
0x23: {  	v1 =	vld.idx.msk [tilespmem:v2+s7+$0x0], $0xffff  }
0x24: {  	v2 =	vor.u32 $0x200, v0;
	_ =	sdelay $0x3  }
0x25: {  	[tilespmem:s12+$0x2580] =	vst v1  }
0x26: {  	v1 =	vld.idx.msk [tilespmem:v2+s7+$0x0], $0xffff  }
0x27: {  	v2 =	vor.u32 $0x280, v0;
	_ =	sdelay $0x3  }
0x28: {  	[tilespmem:s12+$0x2600] =	vst v1  }
0x29: {  	v1 =	vld.idx.msk [tilespmem:v2+s7+$0x0], $0xffff  }
0x2a: {  	v2 =	vor.u32 $0x300, v0;
	_ =	sdelay $0x3  }
0x2b: {  	[tilespmem:s12+$0x2680] =	vst v1  }
0x2c: {  	v1 =	vld.idx.msk [tilespmem:v2+s7+$0x0], $0xffff  }
0x2d: {  	v0 =	vor.u32 $0x380, v0;
	_ =	sdelay $0x3  }
0x2e: {  	[tilespmem:s12+$0x2700] =	vst v1  }
0x2f: {  	v0 =	vld.idx.msk [tilespmem:v0+s7+$0x0], $0xffff;
	_ =	sdelay $0x2  }
0x30: {  	s31 =	sor.u32 s2, s2;
	s13 =	simm.s32 $0x0  }
0x31: {  	s11 =	simm.s32 $0x10;
	s14 =	sor.u32 $0x380, s31;
	s12 =	simm.s32 $0x0  }
.LBB2_2:
0x32: {  	p0 =	sne.s32 s11, $0x3F0;
	[tilespmem:s14+$0x2400] =	vst v0;
	s12 =	sadd.s32 $0x80, s12;
	s13 =	sadd.s32 $0x10, s13  }
0x33: {  	s14 =	smov.u32 s11;
	s11 =	sadd.s32 $0x10, s11;
	v0 =	vld [tilespmem:s13+$0x0];
	_ =	sdelay $0x4  }
0x34: {  	v1 =	vshll.u32 v0, $0x3  }
0x35: {  	v0 =	vand.u32 $0x7F, v0;
	v1 =	vand.u32 $0xFFFFFC00, v1  }
0x36: {  	v0 =	vor.u32 v0, v1;
	_ =	sdelay $0x4  }
0x37: {  	v1 =	vld.idx.msk [tilespmem:v0+s7+$0x0], $0xffff;
	_ =	sdelay $0x1  }
0x38: {  	v2 =	vor.u32 $0x80, v0;
	_ =	sdelay $0x1  }
0x39: {  	s15 =	sand.u32 $0x70, s14;
	s16 =	sand.u32 $0x1C00, s12  }
0x3a: {  	s15 =	sor.u32 s15, s16  }
0x3b: {  	[tilespmem:s15+$0x2400] =	vst v1  }
0x3c: {  	v1 =	vld.idx.msk [tilespmem:v2+s7+$0x0], $0xffff;
	_ =	sdelay $0x1  }
0x3d: {  	v2 =	vor.u32 $0x100, v0;
	_ =	sdelay $0x3  }
0x3e: {  	[tilespmem:s15+$0x2480] =	vst v1  }
0x3f: {  	v1 =	vld.idx.msk [tilespmem:v2+s7+$0x0], $0xffff;
	_ =	sdelay $0x1  }
0x40: {  	v2 =	vor.u32 $0x180, v0;
	_ =	sdelay $0x3  }
0x41: {  	[tilespmem:s15+$0x2500] =	vst v1  }
0x42: {  	v1 =	vld.idx.msk [tilespmem:v2+s7+$0x0], $0xffff;
	_ =	sdelay $0x1  }
0x43: {  	v2 =	vor.u32 $0x200, v0;
	_ =	sdelay $0x3  }
0x44: {  	[tilespmem:s15+$0x2580] =	vst v1  }
0x45: {  	v1 =	vld.idx.msk [tilespmem:v2+s7+$0x0], $0xffff;
	_ =	sdelay $0x1  }
0x46: {  	v2 =	vor.u32 $0x280, v0;
	_ =	sdelay $0x3  }
0x47: {  	[tilespmem:s15+$0x2600] =	vst v1  }
0x48: {  	v1 =	vld.idx.msk [tilespmem:v2+s7+$0x0], $0xffff;
	_ =	sdelay $0x1  }
0x49: {  	v2 =	vor.u32 $0x300, v0;
	_ =	sdelay $0x3  }
0x4a: {  	[tilespmem:s15+$0x2680] =	vst v1  }
0x4b: {  	v1 =	vld.idx.msk [tilespmem:v2+s7+$0x0], $0xffff;
	_ =	sdelay $0x1  }
0x4c: {  	v0 =	vor.u32 $0x380, v0;
	_ =	sdelay $0x3  }
0x4d: {  	[tilespmem:s15+$0x2700] =	vst v1  }
0x4e: {  	v0 =	vld.idx.msk [tilespmem:v0+s7+$0x0], $0xffff  }
.Ltmp0:
0x4f: {  	(pc) =	sbr.rel @p0 .LBB2_2-.Ltmp0, $3  }
0x50: {  	_ =	sdelay $0x1  }
0x51: {  	s14 =	sor.u32 s12, s14  }
0x52: {  	s14 =	sor.u32 $0x380, s14  }
0x53: {  	s10 =	sadd.s32 $0x1, s10  }
0x54: {  	p0 =	sne.s32 s10, s6  }
.Ltmp1:
0x55: {  	[tilespmem:s14+$0x2400] =	vst v0;
	(pc) =	sbr.rel @p0 .LBB2_1-.Ltmp1, $4  }
0x56: {  	[hbm4b:s5+s2] =	stream.linear.scatter [tilespmem:s9], [sflag:$0x1], $0x2000, $0x38;
	[tilespmem:$0x4400] =	vst v63  }
0x57: {  	_ =	swait.ge [sflag:s8], $0x2000  }
0x58: {  	[sflag:s8] =	ssyncset.done $0x0  }
0x59: {  	[sflag:s8] =	ssyncadd.s32 $0xFFFFE000  }
0x5a: {  	_ =	sfence.sel $0x180000  }
0x5b: {  	[bflag:$0x0] =	sbarrier.arrive $0xFFFF  }
0x5c: {  	p0 =	sne.s32 s1, $0x0;
	_ =	strace $0x9000004A  }
0x5d: {  	s0 =	sadd.s32 @!p0 $0x100000, s0;
	[bflag:$0x2] =	sbarrier.arrive $0xFFFF  }
0x5e: {  	[sflag:s0] =	ssyncadd.tile.s32 @!p0 $0x1;
	_ =	shalt  }
.Lfunc_end2:
_tile_overlayer_lowered:
.L_overlay_start_2:
0x5f: {  	(tag) =	ssettag $0x2  }
0x60: {  	s0 =	rddreg [dreg:$0x0];
	s2 =	stileid.u32  }
0x61: {  	s1 =	rddreg [dreg:$0x1];
	p0 =	sne.s32 s2, $0x0  }
0x62: {  	s3 =	rddreg [dreg:$0x2];
	[bflag:$0x3] =	sbarrier.arrive $0xFFFF;
	s2 =	simm.s32 @!p0 $0x1C01  }
0x63: {  	[timem:s3], [sflag:s2] =	dma.local @!p0 [hbm:s0], s1  }
0x64: {  	s0 =	simm.s32 @!p0 $0x1  }
0x65: {  	_ =	swait.ge @!p0 [sflag:s0], s1  }
0x66: {  	s1 =	ssub.s32 @!p0 $0x0, s1;
	[sflag:s0] =	ssyncset.done @!p0 $0x0  }
0x67: {  	[sflag:s0] =	ssyncadd.s32 @!p0 s1  }
0x68: {  	[bflag:$0x3] =	sbarrier.arrive $0xFFFF  }
0x69: {  	_ =	shalt  }

// kernel: kernel.14.cloned.1.call-start
scs
__scs_entry_jumppad:
0x0: {  	(pc) =	sbr.rel $0x88, $3  }
0x1: {  	(tag) =	ssettag $0x0;
	lr =	simm.s32 $0x1  }
0x2: {  	[smem:$0x3F9F] =	sst lr;
	_ =	strace $0xD0000000  }
0x3: {  	_ = 	snop  }
0x4: {  	_ = 	snop  }
0x5: {  	_ = 	snop  }
0x6: {  	_ = 	snop  }
0x7: {  	_ = 	snop  }
__scs_overlays_trampoline_lowered:
0x8: {  	[smem:$0x3FAE] =	sst s0  }
0x9: {  	[smem:$0x3FAF] =	sst s1  }
0xa: {  	[smem:$0x3FB0] =	sst s2  }
0xb: {  	[smem:$0x3FB1] =	sst s3  }
0xc: {  	[smem:$0x3FB2] =	sst s4  }
0xd: {  	[smem:$0x3FB3] =	sst s5  }
0xe: {  	[smem:$0x3FB4] =	sst s6  }
0xf: {  	[smem:$0x3FB5] =	sst s7  }
0x10: {  	[smem:$0x3FB6] =	sst s8  }
0x11: {  	[smem:$0x3FB7] =	sst s9;
	s0 =	simm.s32 @!p0 $0x0  }
0x12: {  	s1 =	sld [smem:$0x3F9D];
	s0 =	simm.s32 @p0 $0x1  }
0x13: {  	[smem:$0x3FB8] =	sst s0;
	s0 =	simm.s32 @!p1 $0x0  }
0x14: {  	s2 =	sld [smem:$0x3F9C];
	s0 =	simm.s32 @p1 $0x1  }
0x15: {  	[smem:$0x3FB9] =	sst s0;
	s0 =	simm.s32 @!p2 $0x0  }
0x16: {  	s3 =	sld [smem:$0x3FDB];
	s0 =	simm.s32 @p2 $0x1  }
0x17: {  	s4 =	simm.s32 $0x1BF5;
	[smem:$0x3FBB] =	sst s0  }
0x18: {  	s0 =	sld [smem:$0x3F9E];
	_ =	swait.ge [sflag:s4], $0x0  }
0x19: {  	s7 =	sld [smem:$0x3F9F]  }
0x1a: {  	s8 =	sadd.s32 $0xFFFFE003, lr  }
0x1b: {  	s9 =	sadd.s32 $0xFFFFFEF7, lr;
	s5 =	simm.s32 $0xFFFFFFFF;
	p2 =	slt.u32 s8, $0xFFFFF086  }
0x1c: {  	p1 =	slt.u32 s9, $0xF7A;
	s5 =	simm.s32 @!p2 $0x0  }
0x1d: {  	s5 =	simm.s32 @p1 $0x1;
	p0 =	seq.s32 s7, s2  }
0x1e: {  	s7 =	smul.u32 @!p0 $0xF7A, s2;
	p2 =	seq.s32 @!p0 s5, $0x0  }
0x1f: {  	s9 =	smul.u32 $0xF7A, s1;
	s8 =	simm.s32 @!p0 $0x1BF5;
	p2 =	por !p2, p0  }
0x20: {  	[sflag:s8] =	ssyncset.s32 @!p0 $0xFFFFF086;
	s6 =	sadd.s32 @!p0 s3, s7;
	s7 =	simm.s32 @!p0 $0x108  }
0x21: {  	s3 =	sadd.s32 s3, s9;
	s6 =	sadd.s32 @!p0 $0x88, s6;
	s7 =	simm.s32 @p2 $0x1082  }
0x22: {  	[simem:s7], [sflag:s8] =	dma.local @!p0 [hbm:s6], $0xF7A  }
0x23: {  	s9 =	sor.u32 $0xD0000000, s2;
	s6 =	simm.s32 $0x108;
	_ =	swait.ge @!p0 [sflag:s8], $0x0  }
0x24: {  	s3 =	sadd.s32 $0x88, s3;
	s6 =	simm.s32 @!p1 $0x1082;
	[sflag:s4] =	ssyncset.s32 $0xFFFFF086  }
0x25: {  	[simem:s6], [sflag:s4] =	dma.local [hbm:s3], $0xF7A  }
0x26: {  	[smem:$0x3F9F] =	sst s1;
	(tag) =	ssettag s2;
	_ =	strace s9  }
0x27: {  	s1 =	sld [smem:$0x3FAF]  }
0x28: {  	s2 =	sld [smem:$0x3FB0]  }
0x29: {  	s4 =	sld [smem:$0x3FB2]  }
0x2a: {  	p0 =	seq.s32 s5, $0x0;
	s5 =	sld [smem:$0x3FB3]  }
0x2b: {  	s6 =	sld [smem:$0x3FB4]  }
0x2c: {  	s7 =	sld [smem:$0x3FB5]  }
0x2d: {  	s3 =	simm.s32 $0x108;
	s8 =	sld [smem:$0x3FB6]  }
0x2e: {  	s3 =	simm.s32 @!p0 $0x1082;
	s9 =	sld [smem:$0x3FB7]  }
0x2f: {  	lr =	sadd.s32 s0, s3;
	s0 =	sld [smem:$0x3FAE]  }
0x30: {  	s3 =	sld [smem:$0x3FB1]  }
0x31: {  	[smem:$0x3FBA] =	sst s10  }
0x32: {  	s10 =	sld [smem:$0x3FB8];
	_ =	sdelay $0x3  }
0x33: {  	p0 =	seq.s32 s10, $0x1;
	s10 =	sld [smem:$0x3FBA];
	_ =	sdelay $0x3  }
0x34: {  	[smem:$0x3FBA] =	sst s10  }
0x35: {  	s10 =	sld [smem:$0x3FB9];
	_ =	sdelay $0x3  }
0x36: {  	p1 =	seq.s32 s10, $0x1;
	s10 =	sld [smem:$0x3FBA];
	_ =	sdelay $0x3  }
0x37: {  	[smem:$0x3FBA] =	sst s10  }
0x38: {  	s10 =	sld [smem:$0x3FBB]  }
0x39: {  	_ = 	snop;
	(pc) =	sbr.ind lr, $3  }
0x3a: {  	_ = 	snop  }
0x3b: {  	_ = 	snop  }
0x3c: {  	p2 =	seq.s32 s10, $0x1;
	s10 =	sld [smem:$0x3FBA]  }
0x3d: {  	_ =	shalt  }
0x3e: {  	_ =	shalt  }
0x3f: {  	_ =	shalt  }
0x40: {  	_ =	shalt  }
0x41: {  	_ =	shalt  }
0x42: {  	_ =	shalt  }
0x43: {  	_ =	shalt  }
0x44: {  	_ =	shalt  }
0x45: {  	_ =	shalt  }
0x46: {  	_ =	shalt  }
0x47: {  	_ =	shalt  }
0x48: {  	_ =	shalt  }
0x49: {  	_ =	shalt  }
0x4a: {  	_ =	shalt  }
0x4b: {  	_ =	shalt  }
0x4c: {  	_ =	shalt  }
0x4d: {  	_ =	shalt  }
0x4e: {  	_ =	shalt  }
0x4f: {  	_ =	shalt  }
0x50: {  	_ =	shalt  }
0x51: {  	_ =	shalt  }
0x52: {  	_ =	shalt  }
0x53: {  	_ =	shalt  }
0x54: {  	_ =	shalt  }
0x55: {  	_ =	shalt  }
0x56: {  	_ =	shalt  }
0x57: {  	_ =	shalt  }
0x58: {  	_ =	shalt  }
0x59: {  	_ =	shalt  }
0x5a: {  	_ =	shalt  }
0x5b: {  	_ =	shalt  }
0x5c: {  	_ =	shalt  }
0x5d: {  	_ =	shalt  }
0x5e: {  	_ =	shalt  }
0x5f: {  	_ =	shalt  }
0x60: {  	_ =	shalt  }
0x61: {  	_ =	shalt  }
0x62: {  	_ =	shalt  }
0x63: {  	_ =	shalt  }
0x64: {  	_ =	shalt  }
0x65: {  	_ =	shalt  }
0x66: {  	_ =	shalt  }
0x67: {  	_ =	shalt  }
0x68: {  	_ =	shalt  }
0x69: {  	_ =	shalt  }
0x6a: {  	_ =	shalt  }
0x6b: {  	_ =	shalt  }
0x6c: {  	_ =	shalt  }
0x6d: {  	_ =	shalt  }
0x6e: {  	_ =	shalt  }
0x6f: {  	_ =	shalt  }
0x70: {  	_ =	shalt  }
0x71: {  	_ =	shalt  }
0x72: {  	_ =	shalt  }
0x73: {  	_ =	shalt  }
0x74: {  	_ =	shalt  }
0x75: {  	_ =	shalt  }
0x76: {  	_ =	shalt  }
0x77: {  	_ =	shalt  }
0x78: {  	_ =	shalt  }
0x79: {  	_ =	shalt  }
0x7a: {  	_ =	shalt  }
0x7b: {  	_ =	shalt  }
0x7c: {  	_ =	shalt  }
0x7d: {  	_ =	shalt  }
0x7e: {  	_ =	shalt  }
0x7f: {  	_ =	shalt  }
0x80: {  	_ =	shalt  }
0x81: {  	_ =	shalt  }
0x82: {  	_ =	shalt  }
0x83: {  	_ =	shalt  }
0x84: {  	_ =	shalt  }
0x85: {  	_ =	shalt  }
0x86: {  	_ =	shalt  }
0x87: {  	_ =	shalt  }
.Lfunc_end0:
.L_simem_size_0:
called_computation.2_lowered:
.L_overlay_start_0:
0x88: {  	s2 =	sld [smem:$0x3FD9]  }
0x89: {  	s3 =	sld [smem:$0x3FFE];
	_ =	sdelay $0x1  }
0x8a: {  	s1 =	srdreg.scid  }
0x8b: {  	s0 =	sand.u32 $0x1, s1  }
0x8c: {  	s16 =	sshll.u32 s0, $0xA;
	s2 =	sadd.s32 s3, s2  }
0x8d: {  	s2 =	sadd.s32 s2, s16  }
0x8e: {  	[smem:$0x3FC6] =	sst s2  }
0x8f: {  	_ = 	snop  }
0x90: {  	(tm) =	ssettm $0x1  }
0x91: {  	s17 =	sld [smem:$0x3FFB];
	_ =	sdelay $0x3  }
0x92: {  	_ =	strace s17  }
0x93: {  	s2 =	sld [smem:$0x3FFC];
	_ =	sdelay $0x3  }
0x94: {  	_ =	strace s2  }
0x95: {  	s2 =	sld [smem:$0x3FFD];
	_ =	sdelay $0x3  }
0x96: {  	_ =	strace s2  }
0x97: {  	_ =	strace $0x8FFFFFFF  }
0x98: {  	s18 =	sld [smem:$0x3FDB];
	_ =	sdelay $0x1  }
0x99: {  	s19 =	simm.s32 $_scs_section_size  }
0x9a: {  	s4 =	simm.s32 $_size__tile_overlayer_lowered;
	s5 =	simm.s32 $_tile_overlayer_lowered  }
0x9b: {  	s22 =	simm.s32 $0x1BFF;
	s21 =	sshll.u32 s5, $0x1;
	s2 =	sadd.s32 s19, s18  }
0x9c: {  	s6 =	simm.s32 $0x0;
	s20 =	sshll.u32 s4, $0x1;
	s4 =	sadd.s32 s21, s2  }
0x9d: {  	[timem:s6], [sflag:s22] =	dma.local [hbm:s4], s20  }
0x9e: {  	_ =	swait.ge [sflag:s22], s20  }
0x9f: {  	s3 =	ssub.s32 $0x0, s20;
	[sflag:s22] =	ssyncset.done $0x0  }
0xa0: {  	[sflag:s22] =	ssyncadd.s32 s3;
	_ =	sdelay $0x1  }
0xa1: {  	s23 =	simm.s32 $0x1B8B  }
0xa2: {  	_ =	swait.ge [sflag:s23], $0x1  }
0xa3: {  	[sflag:s23] =	ssyncset.done $0x0  }
0xa4: {  	s25 =	simm.s32 $0x1B8E;
	s24 =	sld [smem:$0x3FFE];
	[sflag:s23] =	ssyncadd.s32 $0xFFFFFFFF  }
0xa5: {  	s26 =	simm.s32 $execute0_lowered;
	[smem:$0x3FD2] =	sst s25  }
0xa6: {  	s4 =	sshll.u32 s26, $0x1;
	_ =	strace $0x80000046;
	[dreg:$0x1] =	wrdreg $0xFFFFFFFF  }
0xa7: {  	s28 =	simm.s32 $_size_execute0_lowered;
	s2 =	sadd.s32 s2, s4;
	[dreg:$0x0] =	wrdreg $0x0  }
0xa8: {  	s4 =	sshll.u32 s28, $0x1;
	[dreg:$0x2] =	wrdreg s2  }
0xa9: {  	[dreg:$0x3] =	wrdreg s4  }
0xaa: {  	[dreg:$0x4] =	wrdreg $0xC0  }
0xab: {  	_ =	task [dreg:s6], $0x5FFFF  }
0xac: {  	[dreg:$0x1] =	wrdreg $0xFFFFFFFF  }
0xad: {  	[dreg:$0x0] =	wrdreg $0x60  }
0xae: {  	[dreg:$0x2] =	wrdreg s24  }
0xaf: {  	[dreg:$0x3] =	wrdreg $0xB  }
0xb0: {  	_ =	task.clear_ibuf [dreg:s6], $0x4FFFF;
	_ =	strace $0x90000046  }
0xb1: {  	s29 =	simm.s32 $0xB;
	_ =	strace $0x80000048  }
0xb2: {  	_ =	swait.ge [sflag:s29], $0x1  }
0xb3: {  	[sflag:s29] =	ssyncadd.s32 $0xFFFFFFFF  }
0xb4: {  	_ =	strace $0x90000048  }
0xb5: {  	_ =	sfence  }
0xb6: {  	s30 =	sld [smem:$0x0];
	_ =	sdelay $0x2  }
0xb7: {  	s31 =	sshll.u32 s1, $0xD;
	s1 =	sshrl.u32 s1, $0x2  }
0xb8: {  	s3 =	sand.u32 $0x4000, s31;
	s1 =	sadd.s32 s1, s30  }
0xb9: {  	s0 =	sor.u32 s3, s0;
	s1 =	sshll.u32 s1, $0x11  }
0xba: {  	s0 =	sor.u32 s1, s0  }
0xbb: {  	s0 =	sadd.s32 $0x8F2B, s0  }
0xbc: {  	[sflag:s0] =	ssyncadd.remote.s32 $0x1  }
0xbd: {  	_ =	sfence.sel $0xFFFF  }
0xbe: {  	[dreg:$0x0] =	wrdreg $0xFFFFFFFF;
	(pc) =	sbr.abs _section_cstart, $3  }
0xbf: {  	[dreg:$0x1] =	wrdreg $0xFFFFFFFF  }
0xc0: {  	_ =	task.clear_ibuf [dreg:s6], $0x2FFFF;
	_ =	strace $0x9FFFFFFF  }
0xc1: {  	(tm) =	ssettm $0x7FFFFFFF  }
tec
execute0_lowered:
.L_overlay_start_1:
0x0: {  	(tag) =	ssettag $0x1  }
0x1: {  	s3 =	rddreg [dreg:$0x0]  }
0x2: {  	s0 =	rddreg [dreg:$0x1]  }
0x3: {  	s1 =	stileid.u32;
	s2 =	simm.s32 $0x0;
	s4 =	srdreg.scid  }
0x4: {  	s9 =	simm.s32 $0x2400;
	s10 =	simm.s32 $0x0;
	s5 =	sshll.u32 s1, $0x1  }
0x5: {  	[smem:$0x7FF] =	sst s2;
	s4 =	sand.u32 $0x1, s4;
	s6 =	sshrl.u32 s1, $0x2  }
0x6: {  	s5 =	sand.u32 $0x6, s5;
	_ =	strace $0x80000047;
	s7 =	sshll.u32 s6, $0x7  }
0x7: {  	s6 =	sshll.u32 s6, $0xD;
	s5 =	sor.u32 s4, s5;
	s4 =	ssub.s32 $0x2, s4  }
0x8: {  	s7 =	sadd.s32 s7, s3;
	s5 =	sshll.u32 s5, $0xA;
	s8 =	sshrl.u32 s4, $0x1  }
0x9: {  	s5 =	sadd.s32 s5, s3;
	s8 =	ssub.s32 s4, s8;
	s4 =	sadd.s32 $0x1400, s7  }
0xa: {  	s7 =	simm.s32 $0x400;
	s3 =	sadd.s32 $0x1600, s5;
	s5 =	sadd.s32 s6, s5  }
0xb: {  	s6 =	smax.u32 s8, $0x1;
	s8 =	simm.s32 $0x1;
	s5 =	sadd.s32 $0x3A00, s5  }
.LBB2_1:
0xc: {  	[tilespmem:s7], [sflag:$0x1] =	stream.linear.gather [hbm4b:s3+s2], $0x2000, $0x38;
	[tilespmem:$0x4400] =	vst v63  }
0xd: {  	_ =	swait.ge [sflag:s8], $0x2000  }
0xe: {  	[sflag:s8] =	ssyncset.done $0x0  }
0xf: {  	[sflag:s8] =	ssyncadd.s32 $0xFFFFE000  }
0x10: {  	[tilespmem:s2], [sflag:$0x1] =	stream.linear.gather [hbm4b:s4+s2], $0x400, $0x38;
	[tilespmem:$0x4400] =	vst v63  }
0x11: {  	_ =	swait.ge [sflag:s8], $0x400  }
0x12: {  	[sflag:s8] =	ssyncset.done $0x0  }
0x13: {  	[sflag:s8] =	ssyncadd.s32 $0xFFFFFC00  }
0x14: {  	v0 =	vld [tilespmem:s2+$0x0];
	_ =	sdelay $0x4  }
0x15: {  	v1 =	vshll.u32 v0, $0x3  }
0x16: {  	v0 =	vand.u32 $0x7F, v0;
	v1 =	vand.u32 $0xFFFFFC00, v1  }
0x17: {  	v0 =	vor.u32 v0, v1;
	_ =	sdelay $0x4  }
0x18: {  	v1 =	vld.idx.msk [tilespmem:v0+s7+$0x0], $0xffff  }
0x19: {  	v2 =	vor.u32 $0x80, v0;
	_ =	sdelay $0x1  }
0x1a: {  	s11 =	sand.u32 $0x70, s2;
	s12 =	sand.u32 $0x1C00, s2  }
0x1b: {  	s12 =	sor.u32 s11, s12  }
0x1c: {  	[tilespmem:s12+$0x2400] =	vst v1  }
0x1d: {  	v1 =	vld.idx.msk [tilespmem:v2+s7+$0x0], $0xffff  }
0x1e: {  	v2 =	vor.u32 $0x100, v0;
	_ =	sdelay $0x3  }
0x1f: {  	[tilespmem:s12+$0x2480] =	vst v1  }
0x20: {  	v1 =	vld.idx.msk [tilespmem:v2+s7+$0x0], $0xffff  }
0x21: {  	v2 =	vor.u32 $0x180, v0;
	_ =	sdelay $0x3  }
0x22: {  	[tilespmem:s12+$0x2500] =	vst v1  }
0x23: {  	v1 =	vld.idx.msk [tilespmem:v2+s7+$0x0], $0xffff  }
0x24: {  	v2 =	vor.u32 $0x200, v0;
	_ =	sdelay $0x3  }
0x25: {  	[tilespmem:s12+$0x2580] =	vst v1  }
0x26: {  	v1 =	vld.idx.msk [tilespmem:v2+s7+$0x0], $0xffff  }
0x27: {  	v2 =	vor.u32 $0x280, v0;
	_ =	sdelay $0x3  }
0x28: {  	[tilespmem:s12+$0x2600] =	vst v1  }
0x29: {  	v1 =	vld.idx.msk [tilespmem:v2+s7+$0x0], $0xffff  }
0x2a: {  	v2 =	vor.u32 $0x300, v0;
	_ =	sdelay $0x3  }
0x2b: {  	[tilespmem:s12+$0x2680] =	vst v1  }
0x2c: {  	v1 =	vld.idx.msk [tilespmem:v2+s7+$0x0], $0xffff  }
0x2d: {  	v0 =	vor.u32 $0x380, v0;
	_ =	sdelay $0x3  }
0x2e: {  	[tilespmem:s12+$0x2700] =	vst v1  }
0x2f: {  	v0 =	vld.idx.msk [tilespmem:v0+s7+$0x0], $0xffff;
	_ =	sdelay $0x2  }
0x30: {  	s31 =	sor.u32 s2, s2;
	s13 =	simm.s32 $0x0  }
0x31: {  	s11 =	simm.s32 $0x10;
	s14 =	sor.u32 $0x380, s31;
	s12 =	simm.s32 $0x0  }
.LBB2_2:
0x32: {  	p0 =	sne.s32 s11, $0x3F0;
	[tilespmem:s14+$0x2400] =	vst v0;
	s12 =	sadd.s32 $0x80, s12;
	s13 =	sadd.s32 $0x10, s13  }
0x33: {  	s14 =	smov.u32 s11;
	s11 =	sadd.s32 $0x10, s11;
	v0 =	vld [tilespmem:s13+$0x0];
	_ =	sdelay $0x4  }
0x34: {  	v1 =	vshll.u32 v0, $0x3  }
0x35: {  	v0 =	vand.u32 $0x7F, v0;
	v1 =	vand.u32 $0xFFFFFC00, v1  }
0x36: {  	v0 =	vor.u32 v0, v1;
	_ =	sdelay $0x4  }
0x37: {  	v1 =	vld.idx.msk [tilespmem:v0+s7+$0x0], $0xffff;
	_ =	sdelay $0x1  }
0x38: {  	v2 =	vor.u32 $0x80, v0;
	_ =	sdelay $0x1  }
0x39: {  	s15 =	sand.u32 $0x70, s14;
	s16 =	sand.u32 $0x1C00, s12  }
0x3a: {  	s15 =	sor.u32 s15, s16  }
0x3b: {  	[tilespmem:s15+$0x2400] =	vst v1  }
0x3c: {  	v1 =	vld.idx.msk [tilespmem:v2+s7+$0x0], $0xffff;
	_ =	sdelay $0x1  }
0x3d: {  	v2 =	vor.u32 $0x100, v0;
	_ =	sdelay $0x3  }
0x3e: {  	[tilespmem:s15+$0x2480] =	vst v1  }
0x3f: {  	v1 =	vld.idx.msk [tilespmem:v2+s7+$0x0], $0xffff;
	_ =	sdelay $0x1  }
0x40: {  	v2 =	vor.u32 $0x180, v0;
	_ =	sdelay $0x3  }
0x41: {  	[tilespmem:s15+$0x2500] =	vst v1  }
0x42: {  	v1 =	vld.idx.msk [tilespmem:v2+s7+$0x0], $0xffff;
	_ =	sdelay $0x1  }
0x43: {  	v2 =	vor.u32 $0x200, v0;
	_ =	sdelay $0x3  }
0x44: {  	[tilespmem:s15+$0x2580] =	vst v1  }
0x45: {  	v1 =	vld.idx.msk [tilespmem:v2+s7+$0x0], $0xffff;
	_ =	sdelay $0x1  }
0x46: {  	v2 =	vor.u32 $0x280, v0;
	_ =	sdelay $0x3  }
0x47: {  	[tilespmem:s15+$0x2600] =	vst v1  }
0x48: {  	v1 =	vld.idx.msk [tilespmem:v2+s7+$0x0], $0xffff;
	_ =	sdelay $0x1  }
0x49: {  	v2 =	vor.u32 $0x300, v0;
	_ =	sdelay $0x3  }
0x4a: {  	[tilespmem:s15+$0x2680] =	vst v1  }
0x4b: {  	v1 =	vld.idx.msk [tilespmem:v2+s7+$0x0], $0xffff;
	_ =	sdelay $0x1  }
0x4c: {  	v0 =	vor.u32 $0x380, v0;
	_ =	sdelay $0x3  }
0x4d: {  	[tilespmem:s15+$0x2700] =	vst v1  }
0x4e: {  	v0 =	vld.idx.msk [tilespmem:v0+s7+$0x0], $0xffff  }
.Ltmp0:
0x4f: {  	(pc) =	sbr.rel @p0 .LBB2_2-.Ltmp0, $3  }
0x50: {  	_ =	sdelay $0x1  }
0x51: {  	s14 =	sor.u32 s12, s14  }
0x52: {  	s14 =	sor.u32 $0x380, s14  }
0x53: {  	s10 =	sadd.s32 $0x1, s10  }
0x54: {  	p0 =	sne.s32 s10, s6  }
.Ltmp1:
0x55: {  	[tilespmem:s14+$0x2400] =	vst v0;
	(pc) =	sbr.rel @p0 .LBB2_1-.Ltmp1, $4  }
0x56: {  	[hbm4b:s5+s2] =	stream.linear.scatter [tilespmem:s9], [sflag:$0x1], $0x2000, $0x38;
	[tilespmem:$0x4400] =	vst v63  }
0x57: {  	_ =	swait.ge [sflag:s8], $0x2000  }
0x58: {  	[sflag:s8] =	ssyncset.done $0x0  }
0x59: {  	[sflag:s8] =	ssyncadd.s32 $0xFFFFE000  }
0x5a: {  	_ =	sfence.sel $0x180000  }
0x5b: {  	[bflag:$0x0] =	sbarrier.arrive $0xFFFF  }
0x5c: {  	p0 =	sne.s32 s1, $0x0;
	_ =	strace $0x90000047  }
0x5d: {  	s0 =	sadd.s32 @!p0 $0x100000, s0;
	[bflag:$0x2] =	sbarrier.arrive $0xFFFF  }
0x5e: {  	[sflag:s0] =	ssyncadd.tile.s32 @!p0 $0x1;
	_ =	shalt  }
.Lfunc_end2:
_tile_overlayer_lowered:
.L_overlay_start_2:
0x5f: {  	(tag) =	ssettag $0x2  }
0x60: {  	s0 =	rddreg [dreg:$0x0];
	s2 =	stileid.u32  }
0x61: {  	s1 =	rddreg [dreg:$0x1];
	p0 =	sne.s32 s2, $0x0  }
0x62: {  	s3 =	rddreg [dreg:$0x2];
	[bflag:$0x3] =	sbarrier.arrive $0xFFFF;
	s2 =	simm.s32 @!p0 $0x1C01  }
0x63: {  	[timem:s3], [sflag:s2] =	dma.local @!p0 [hbm:s0], s1  }
0x64: {  	s0 =	simm.s32 @!p0 $0x1  }
0x65: {  	_ =	swait.ge @!p0 [sflag:s0], s1  }
0x66: {  	s1 =	ssub.s32 @!p0 $0x0, s1;
	[sflag:s0] =	ssyncset.done @!p0 $0x0  }
0x67: {  	[sflag:s0] =	ssyncadd.s32 @!p0 s1  }
0x68: {  	[bflag:$0x3] =	sbarrier.arrive $0xFFFF  }
0x69: {  	_ =	shalt  }

// kernel: kernel.8.cloned.1.call-start
scs
__scs_entry_jumppad:
0x0: {  	(pc) =	sbr.rel $0x88, $3  }
0x1: {  	(tag) =	ssettag $0x0;
	lr =	simm.s32 $0x1  }
0x2: {  	[smem:$0x3F9F] =	sst lr;
	_ =	strace $0xD0000000  }
0x3: {  	_ = 	snop  }
0x4: {  	_ = 	snop  }
0x5: {  	_ = 	snop  }
0x6: {  	_ = 	snop  }
0x7: {  	_ = 	snop  }
__scs_overlays_trampoline_lowered:
0x8: {  	[smem:$0x3FAE] =	sst s0  }
0x9: {  	[smem:$0x3FAF] =	sst s1  }
0xa: {  	[smem:$0x3FB0] =	sst s2  }
0xb: {  	[smem:$0x3FB1] =	sst s3  }
0xc: {  	[smem:$0x3FB2] =	sst s4  }
0xd: {  	[smem:$0x3FB3] =	sst s5  }
0xe: {  	[smem:$0x3FB4] =	sst s6  }
0xf: {  	[smem:$0x3FB5] =	sst s7  }
0x10: {  	[smem:$0x3FB6] =	sst s8  }
0x11: {  	[smem:$0x3FB7] =	sst s9;
	s0 =	simm.s32 @!p0 $0x0  }
0x12: {  	s1 =	sld [smem:$0x3F9D];
	s0 =	simm.s32 @p0 $0x1  }
0x13: {  	[smem:$0x3FB8] =	sst s0;
	s0 =	simm.s32 @!p1 $0x0  }
0x14: {  	s2 =	sld [smem:$0x3F9C];
	s0 =	simm.s32 @p1 $0x1  }
0x15: {  	[smem:$0x3FB9] =	sst s0;
	s0 =	simm.s32 @!p2 $0x0  }
0x16: {  	s3 =	sld [smem:$0x3FDB];
	s0 =	simm.s32 @p2 $0x1  }
0x17: {  	s4 =	simm.s32 $0x1BF5;
	[smem:$0x3FBB] =	sst s0  }
0x18: {  	s0 =	sld [smem:$0x3F9E];
	_ =	swait.ge [sflag:s4], $0x0  }
0x19: {  	s7 =	sld [smem:$0x3F9F]  }
0x1a: {  	s8 =	sadd.s32 $0xFFFFE003, lr  }
0x1b: {  	s9 =	sadd.s32 $0xFFFFFEF7, lr;
	s5 =	simm.s32 $0xFFFFFFFF;
	p2 =	slt.u32 s8, $0xFFFFF086  }
0x1c: {  	p1 =	slt.u32 s9, $0xF7A;
	s5 =	simm.s32 @!p2 $0x0  }
0x1d: {  	s5 =	simm.s32 @p1 $0x1;
	p0 =	seq.s32 s7, s2  }
0x1e: {  	s7 =	smul.u32 @!p0 $0xF7A, s2;
	p2 =	seq.s32 @!p0 s5, $0x0  }
0x1f: {  	s9 =	smul.u32 $0xF7A, s1;
	s8 =	simm.s32 @!p0 $0x1BF5;
	p2 =	por !p2, p0  }
0x20: {  	[sflag:s8] =	ssyncset.s32 @!p0 $0xFFFFF086;
	s6 =	sadd.s32 @!p0 s3, s7;
	s7 =	simm.s32 @!p0 $0x108  }
0x21: {  	s3 =	sadd.s32 s3, s9;
	s6 =	sadd.s32 @!p0 $0x88, s6;
	s7 =	simm.s32 @p2 $0x1082  }
0x22: {  	[simem:s7], [sflag:s8] =	dma.local @!p0 [hbm:s6], $0xF7A  }
0x23: {  	s9 =	sor.u32 $0xD0000000, s2;
	s6 =	simm.s32 $0x108;
	_ =	swait.ge @!p0 [sflag:s8], $0x0  }
0x24: {  	s3 =	sadd.s32 $0x88, s3;
	s6 =	simm.s32 @!p1 $0x1082;
	[sflag:s4] =	ssyncset.s32 $0xFFFFF086  }
0x25: {  	[simem:s6], [sflag:s4] =	dma.local [hbm:s3], $0xF7A  }
0x26: {  	[smem:$0x3F9F] =	sst s1;
	(tag) =	ssettag s2;
	_ =	strace s9  }
0x27: {  	s1 =	sld [smem:$0x3FAF]  }
0x28: {  	s2 =	sld [smem:$0x3FB0]  }
0x29: {  	s4 =	sld [smem:$0x3FB2]  }
0x2a: {  	p0 =	seq.s32 s5, $0x0;
	s5 =	sld [smem:$0x3FB3]  }
0x2b: {  	s6 =	sld [smem:$0x3FB4]  }
0x2c: {  	s7 =	sld [smem:$0x3FB5]  }
0x2d: {  	s3 =	simm.s32 $0x108;
	s8 =	sld [smem:$0x3FB6]  }
0x2e: {  	s3 =	simm.s32 @!p0 $0x1082;
	s9 =	sld [smem:$0x3FB7]  }
0x2f: {  	lr =	sadd.s32 s0, s3;
	s0 =	sld [smem:$0x3FAE]  }
0x30: {  	s3 =	sld [smem:$0x3FB1]  }
0x31: {  	[smem:$0x3FBA] =	sst s10  }
0x32: {  	s10 =	sld [smem:$0x3FB8];
	_ =	sdelay $0x3  }
0x33: {  	p0 =	seq.s32 s10, $0x1;
	s10 =	sld [smem:$0x3FBA];
	_ =	sdelay $0x3  }
0x34: {  	[smem:$0x3FBA] =	sst s10  }
0x35: {  	s10 =	sld [smem:$0x3FB9];
	_ =	sdelay $0x3  }
0x36: {  	p1 =	seq.s32 s10, $0x1;
	s10 =	sld [smem:$0x3FBA];
	_ =	sdelay $0x3  }
0x37: {  	[smem:$0x3FBA] =	sst s10  }
0x38: {  	s10 =	sld [smem:$0x3FBB]  }
0x39: {  	_ = 	snop;
	(pc) =	sbr.ind lr, $3  }
0x3a: {  	_ = 	snop  }
0x3b: {  	_ = 	snop  }
0x3c: {  	p2 =	seq.s32 s10, $0x1;
	s10 =	sld [smem:$0x3FBA]  }
0x3d: {  	_ =	shalt  }
0x3e: {  	_ =	shalt  }
0x3f: {  	_ =	shalt  }
0x40: {  	_ =	shalt  }
0x41: {  	_ =	shalt  }
0x42: {  	_ =	shalt  }
0x43: {  	_ =	shalt  }
0x44: {  	_ =	shalt  }
0x45: {  	_ =	shalt  }
0x46: {  	_ =	shalt  }
0x47: {  	_ =	shalt  }
0x48: {  	_ =	shalt  }
0x49: {  	_ =	shalt  }
0x4a: {  	_ =	shalt  }
0x4b: {  	_ =	shalt  }
0x4c: {  	_ =	shalt  }
0x4d: {  	_ =	shalt  }
0x4e: {  	_ =	shalt  }
0x4f: {  	_ =	shalt  }
0x50: {  	_ =	shalt  }
0x51: {  	_ =	shalt  }
0x52: {  	_ =	shalt  }
0x53: {  	_ =	shalt  }
0x54: {  	_ =	shalt  }
0x55: {  	_ =	shalt  }
0x56: {  	_ =	shalt  }
0x57: {  	_ =	shalt  }
0x58: {  	_ =	shalt  }
0x59: {  	_ =	shalt  }
0x5a: {  	_ =	shalt  }
0x5b: {  	_ =	shalt  }
0x5c: {  	_ =	shalt  }
0x5d: {  	_ =	shalt  }
0x5e: {  	_ =	shalt  }
0x5f: {  	_ =	shalt  }
0x60: {  	_ =	shalt  }
0x61: {  	_ =	shalt  }
0x62: {  	_ =	shalt  }
0x63: {  	_ =	shalt  }
0x64: {  	_ =	shalt  }
0x65: {  	_ =	shalt  }
0x66: {  	_ =	shalt  }
0x67: {  	_ =	shalt  }
0x68: {  	_ =	shalt  }
0x69: {  	_ =	shalt  }
0x6a: {  	_ =	shalt  }
0x6b: {  	_ =	shalt  }
0x6c: {  	_ =	shalt  }
0x6d: {  	_ =	shalt  }
0x6e: {  	_ =	shalt  }
0x6f: {  	_ =	shalt  }
0x70: {  	_ =	shalt  }
0x71: {  	_ =	shalt  }
0x72: {  	_ =	shalt  }
0x73: {  	_ =	shalt  }
0x74: {  	_ =	shalt  }
0x75: {  	_ =	shalt  }
0x76: {  	_ =	shalt  }
0x77: {  	_ =	shalt  }
0x78: {  	_ =	shalt  }
0x79: {  	_ =	shalt  }
0x7a: {  	_ =	shalt  }
0x7b: {  	_ =	shalt  }
0x7c: {  	_ =	shalt  }
0x7d: {  	_ =	shalt  }
0x7e: {  	_ =	shalt  }
0x7f: {  	_ =	shalt  }
0x80: {  	_ =	shalt  }
0x81: {  	_ =	shalt  }
0x82: {  	_ =	shalt  }
0x83: {  	_ =	shalt  }
0x84: {  	_ =	shalt  }
0x85: {  	_ =	shalt  }
0x86: {  	_ =	shalt  }
0x87: {  	_ =	shalt  }
.Lfunc_end0:
.L_simem_size_0:
called_computation_lowered:
.L_overlay_start_0:
0x88: {  	s2 =	sld [smem:$0x3FD9]  }
0x89: {  	s3 =	sld [smem:$0x3FFE];
	_ =	sdelay $0x1  }
0x8a: {  	s1 =	srdreg.scid  }
0x8b: {  	s0 =	sand.u32 $0x1, s1  }
0x8c: {  	s15 =	sshll.u32 s0, $0xA;
	s2 =	sadd.s32 s3, s2  }
0x8d: {  	s2 =	sadd.s32 s2, s15  }
0x8e: {  	[smem:$0x3FC6] =	sst s2  }
0x8f: {  	_ = 	snop  }
0x90: {  	s2 =	sld [smem:$0x3FD0];
	_ =	sdelay $0x2  }
0x91: {  	s16 =	simm.s32 $0xC;
	s4 =	simm.s32 $0x10  }
0x92: {  	[smem:s4], [sflag:s16] =	dma.local [hbm:s2], $0x1  }
0x93: {  	_ =	swait.eq [sflag:s16], $0x1  }
0x94: {  	[sflag:s16] =	ssyncset.done $0x0  }
0x95: {  	[sflag:s16] =	ssyncadd.s32 $0xFFFFFFFF  }
0x96: {  	s17 =	sld [smem:$0x11];
	(tm) =	ssettm $0x1  }
0x97: {  	s18 =	sld [smem:$0x3FFB];
	_ =	sdelay $0x3  }
0x98: {  	_ =	strace s18  }
0x99: {  	s2 =	sld [smem:$0x3FFC];
	_ =	sdelay $0x3  }
0x9a: {  	_ =	strace s2  }
0x9b: {  	s2 =	sld [smem:$0x3FFD];
	_ =	sdelay $0x3  }
0x9c: {  	_ =	strace s2  }
0x9d: {  	_ =	strace $0x8FFFFFFF  }
0x9e: {  	s19 =	sld [smem:$0x3FDB];
	_ =	sdelay $0x1  }
0x9f: {  	s20 =	simm.s32 $_scs_section_size  }
0xa0: {  	s5 =	simm.s32 $_size__tile_overlayer_lowered;
	s6 =	simm.s32 $_tile_overlayer_lowered  }
0xa1: {  	s7 =	simm.s32 $0x1BFF;
	s21 =	sshll.u32 s6, $0x1;
	s4 =	sadd.s32 s20, s19  }
0xa2: {  	s22 =	simm.s32 $0x0;
	s5 =	sshll.u32 s5, $0x1;
	s6 =	sadd.s32 s21, s4  }
0xa3: {  	[timem:s22], [sflag:s7] =	dma.local [hbm:s6], s5  }
0xa4: {  	_ =	swait.ge [sflag:s7], s5  }
0xa5: {  	s5 =	ssub.s32 $0x0, s5;
	[sflag:s7] =	ssyncset.done $0x0  }
0xa6: {  	[sflag:s7] =	ssyncadd.s32 s5;
	_ =	sdelay $0x1  }
0xa7: {  	s23 =	simm.s32 $0x1B8B  }
0xa8: {  	_ =	swait.ge [sflag:s23], $0x1  }
0xa9: {  	[sflag:s23] =	ssyncset.done $0x0  }
0xaa: {  	[sflag:s23] =	ssyncadd.s32 $0xFFFFFFFF  }
0xab: {  	s5 =	sld [smem:$0x0]  }
0xac: {  	s6 =	sand.u32 $0xFFFFFFFE, s1  }
0xad: {  	p0 =	sne.s32 s1, s6  }
0xae: {  	s6 =	sshll.u32 @p0 s6, $0xE  }
0xaf: {  	s6 =	sadd.s32 @p0 $0x11B8D, s6;
	s7 =	sshll.u32 @p0 s5, $0x11  }
0xb0: {  	s6 =	sor.u32 @p0 s7, s6  }
0xb1: {  	[sflag:s6] =	ssyncadd.remote.s32 @p0 $0x1;
	_ =	sdelay $0x1  }
0xb2: {  	s6 =	simm.s32 @p0 $0x1B8D  }
0xb3: {  	_ =	swait.eq @p0 [sflag:s6], $0x1  }
0xb4: {  	[sflag:s6] =	ssyncadd.s32 @p0 $0xFFFFFFFF  }
0xb5: {  	s7 =	sshll.u32 @!p0 s1, $0xE  }
0xb6: {  	s7 =	sor.u32 @!p0 $0x4000, s7;
	s6 =	simm.s32 @!p0 $0x1B8D  }
0xb7: {  	s5 =	sshll.u32 @!p0 s5, $0x11;
	s7 =	sadd.s32 @!p0 $0x11B8D, s7;
	_ =	swait.eq @!p0 [sflag:s6], $0x1  }
0xb8: {  	s5 =	sor.u32 @!p0 s5, s7;
	[sflag:s6] =	ssyncadd.s32 @!p0 $0xFFFFFFFF  }
0xb9: {  	s25 =	simm.s32 $0x1B8E;
	s24 =	sld [smem:$0x3FFE];
	[sflag:s5] =	ssyncadd.remote.s32 @!p0 $0x1  }
0xba: {  	s26 =	simm.s32 $execute0_lowered;
	[smem:$0x3FD2] =	sst s25  }
0xbb: {  	s6 =	sshll.u32 s26, $0x1;
	_ =	strace $0x8000004C;
	[dreg:$0x1] =	wrdreg $0xFFFFFFFF  }
0xbc: {  	s28 =	simm.s32 $_size_execute0_lowered;
	s4 =	sadd.s32 s4, s6;
	[dreg:$0x0] =	wrdreg $0x0  }
0xbd: {  	s6 =	sshll.u32 s28, $0x1;
	[dreg:$0x2] =	wrdreg s4  }
0xbe: {  	[dreg:$0x3] =	wrdreg s6  }
0xbf: {  	[dreg:$0x4] =	wrdreg $0xC0  }
0xc0: {  	_ =	task [dreg:s22], $0x5FFFF  }
0xc1: {  	[dreg:$0x1] =	wrdreg $0xFFFFFFFF  }
0xc2: {  	[dreg:$0x0] =	wrdreg $0x60  }
0xc3: {  	[dreg:$0x2] =	wrdreg s24  }
0xc4: {  	[dreg:$0x3] =	wrdreg s17  }
0xc5: {  	[dreg:$0x4] =	wrdreg $0x9  }
0xc6: {  	_ =	task.clear_ibuf [dreg:s22], $0x5FFFF;
	_ =	strace $0x9000004C  }
0xc7: {  	s29 =	simm.s32 $0x9;
	_ =	strace $0x8000004E  }
0xc8: {  	_ =	swait.ge [sflag:s29], $0x1  }
0xc9: {  	[sflag:s29] =	ssyncadd.s32 $0xFFFFFFFF  }
0xca: {  	_ =	strace $0x9000004E  }
0xcb: {  	_ =	sfence  }
0xcc: {  	s30 =	sld [smem:$0x0];
	_ =	sdelay $0x2  }
0xcd: {  	s31 =	sshll.u32 s1, $0xD;
	s1 =	sshrl.u32 s1, $0x2  }
0xce: {  	s4 =	sand.u32 $0x4000, s31;
	s1 =	sadd.s32 s1, s30  }
0xcf: {  	s0 =	sor.u32 s4, s0;
	s1 =	sshll.u32 s1, $0x11  }
0xd0: {  	s0 =	sor.u32 s1, s0  }
0xd1: {  	s0 =	sadd.s32 $0x8F2B, s0  }
0xd2: {  	[sflag:s0] =	ssyncadd.remote.s32 $0x1  }
0xd3: {  	_ =	sfence.sel $0xFFFF  }
0xd4: {  	[dreg:$0x0] =	wrdreg $0xFFFFFFFF;
	(pc) =	sbr.abs _section_cstart, $3  }
0xd5: {  	[dreg:$0x1] =	wrdreg $0xFFFFFFFF  }
0xd6: {  	_ =	task.clear_ibuf [dreg:s22], $0x2FFFF;
	_ =	strace $0x9FFFFFFF  }
0xd7: {  	(tm) =	ssettm $0x7FFFFFFF  }
tec
execute0_lowered:
.L_overlay_start_1:
0x0: {  	(tag) =	ssettag $0x1  }
0x1: {  	s3 =	rddreg [dreg:$0x0]  }
0x2: {  	s5 =	rddreg [dreg:$0x1]  }
0x3: {  	s0 =	rddreg [dreg:$0x2]  }
0x4: {  	s1 =	stileid.u32;
	s2 =	simm.s32 $0x0;
	s4 =	srdreg.scid  }
0x5: {  	s6 =	sshll.u32 s1, $0x1;
	[smem:$0x7FF] =	sst s2;
	s4 =	sand.u32 $0x1, s4  }
0x6: {  	s7 =	sshrl.u32 s1, $0x1;
	s6 =	sand.u32 $0x2, s6;
	_ =	strace $0x8000004D  }
0x7: {  	s9 =	sshll.u32 s7, $0x7;
	s7 =	sshll.u32 s7, $0xD;
	s6 =	sor.u32 s4, s6  }
0x8: {  	s4 =	ssub.s32 $0x2, s4;
	s9 =	sadd.s32 s9, s3;
	s5 =	sadd.s32 s5, s7  }
0x9: {  	s7 =	simm.s32 $0x400;
	s6 =	sshll.u32 s6, $0xB;
	s10 =	sshrl.u32 s4, $0x1  }
0xa: {  	s8 =	sadd.s32 s6, s3;
	s10 =	ssub.s32 s4, s10;
	s4 =	sadd.s32 $0x3600, s9  }
0xb: {  	s5 =	sadd.s32 s6, s5;
	s9 =	simm.s32 $0x4400;
	s3 =	sadd.s32 $0x1600, s8  }
0xc: {  	s6 =	smax.u32 s10, $0x1;
	s8 =	simm.s32 $0x1;
	s10 =	simm.s32 $0x0  }
.LBB2_1:
0xd: {  	[tilespmem:s7], [sflag:$0x1] =	stream.linear.gather [hbm4b:s3+s2], $0x4000, $0x38;
	[tilespmem:$0x8400] =	vst v63  }
0xe: {  	_ =	swait.ge [sflag:s8], $0x4000  }
0xf: {  	[sflag:s8] =	ssyncset.done $0x0  }
0x10: {  	[sflag:s8] =	ssyncadd.s32 $0xFFFFC000  }
0x11: {  	[tilespmem:s2], [sflag:$0x1] =	stream.linear.gather [hbm4b:s4+s2], $0x400, $0x38;
	[tilespmem:$0x8400] =	vst v63  }
0x12: {  	_ =	swait.ge [sflag:s8], $0x400  }
0x13: {  	[sflag:s8] =	ssyncset.done $0x0  }
0x14: {  	[sflag:s8] =	ssyncadd.s32 $0xFFFFFC00  }
0x15: {  	v0 =	vld [tilespmem:s2+$0x0];
	_ =	sdelay $0x4  }
0x16: {  	v1 =	vshll.u32 v0, $0x3  }
0x17: {  	v0 =	vand.u32 $0x7F, v0;
	v1 =	vand.u32 $0xFFFFFC00, v1  }
0x18: {  	v0 =	vor.u32 v0, v1;
	_ =	sdelay $0x4  }
0x19: {  	v1 =	vld.idx.msk [tilespmem:v0+s7+$0x0], $0xffff  }
0x1a: {  	v2 =	vor.u32 $0x80, v0;
	_ =	sdelay $0x1  }
0x1b: {  	s11 =	sand.u32 $0x70, s2;
	s12 =	sand.u32 $0x1C00, s2  }
0x1c: {  	s11 =	sor.u32 s11, s12  }
0x1d: {  	[tilespmem:s11+$0x4400] =	vst v1  }
0x1e: {  	v1 =	vld.idx.msk [tilespmem:v2+s7+$0x0], $0xffff  }
0x1f: {  	v2 =	vor.u32 $0x100, v0;
	_ =	sdelay $0x3  }
0x20: {  	[tilespmem:s11+$0x4480] =	vst v1  }
0x21: {  	v1 =	vld.idx.msk [tilespmem:v2+s7+$0x0], $0xffff  }
0x22: {  	v2 =	vor.u32 $0x180, v0;
	_ =	sdelay $0x3  }
0x23: {  	[tilespmem:s11+$0x4500] =	vst v1  }
0x24: {  	v1 =	vld.idx.msk [tilespmem:v2+s7+$0x0], $0xffff  }
0x25: {  	v2 =	vor.u32 $0x200, v0;
	_ =	sdelay $0x3  }
0x26: {  	[tilespmem:s11+$0x4580] =	vst v1  }
0x27: {  	v1 =	vld.idx.msk [tilespmem:v2+s7+$0x0], $0xffff  }
0x28: {  	v2 =	vor.u32 $0x280, v0;
	_ =	sdelay $0x3  }
0x29: {  	[tilespmem:s11+$0x4600] =	vst v1  }
0x2a: {  	v1 =	vld.idx.msk [tilespmem:v2+s7+$0x0], $0xffff  }
0x2b: {  	v2 =	vor.u32 $0x300, v0;
	_ =	sdelay $0x3  }
0x2c: {  	[tilespmem:s11+$0x4680] =	vst v1  }
0x2d: {  	v1 =	vld.idx.msk [tilespmem:v2+s7+$0x0], $0xffff  }
0x2e: {  	v2 =	vor.u32 $0x380, v0;
	_ =	sdelay $0x3  }
0x2f: {  	[tilespmem:s11+$0x4700] =	vst v1  }
0x30: {  	v1 =	vld.idx.msk [tilespmem:v2+s7+$0x0], $0xffff  }
0x31: {  	v2 =	vadd.s32 $0x2000, v0;
	_ =	sdelay $0x1  }
0x32: {  	s31 =	sor.u32 s2, s2  }
0x33: {  	s12 =	sor.u32 $0x380, s31  }
0x34: {  	[tilespmem:s12+$0x4400] =	vst v1  }
0x35: {  	v1 =	vld.idx.msk [tilespmem:v2+s7+$0x0], $0xffff  }
0x36: {  	v2 =	vadd.s32 $0x2080, v0;
	_ =	sdelay $0x3  }
0x37: {  	[tilespmem:s11+$0x6400] =	vst v1  }
0x38: {  	v1 =	vld.idx.msk [tilespmem:v2+s7+$0x0], $0xffff  }
0x39: {  	v2 =	vadd.s32 $0x2100, v0;
	_ =	sdelay $0x3  }
0x3a: {  	[tilespmem:s11+$0x6480] =	vst v1  }
0x3b: {  	v1 =	vld.idx.msk [tilespmem:v2+s7+$0x0], $0xffff  }
0x3c: {  	v2 =	vadd.s32 $0x2180, v0;
	_ =	sdelay $0x3  }
0x3d: {  	[tilespmem:s11+$0x6500] =	vst v1  }
0x3e: {  	v1 =	vld.idx.msk [tilespmem:v2+s7+$0x0], $0xffff  }
0x3f: {  	v2 =	vadd.s32 $0x2200, v0;
	_ =	sdelay $0x3  }
0x40: {  	[tilespmem:s11+$0x6580] =	vst v1  }
0x41: {  	v1 =	vld.idx.msk [tilespmem:v2+s7+$0x0], $0xffff  }
0x42: {  	v2 =	vadd.s32 $0x2280, v0;
	_ =	sdelay $0x3  }
0x43: {  	[tilespmem:s11+$0x6600] =	vst v1  }
0x44: {  	v1 =	vld.idx.msk [tilespmem:v2+s7+$0x0], $0xffff  }
0x45: {  	v2 =	vadd.s32 $0x2300, v0;
	_ =	sdelay $0x3  }
0x46: {  	[tilespmem:s11+$0x6680] =	vst v1  }
0x47: {  	v1 =	vld.idx.msk [tilespmem:v2+s7+$0x0], $0xffff  }
0x48: {  	v0 =	vadd.s32 $0x2380, v0;
	_ =	sdelay $0x3  }
0x49: {  	[tilespmem:s11+$0x6700] =	vst v1  }
0x4a: {  	s13 =	simm.s32 $0x0;
	s14 =	simm.s32 $0x0;
	s12 =	simm.s32 $0x10;
	v0 =	vld.idx.msk [tilespmem:v0+s7+$0x0], $0xffff  }
.LBB2_2:
0x4b: {  	_ =	sdelay $0x3  }
0x4c: {  	p0 =	sne.s32 s12, $0x3F0;
	s13 =	sadd.s32 $0x80, s13;
	s14 =	sadd.s32 $0x10, s14;
	[tilespmem:s11+$0x6780] =	vst v0  }
0x4d: {  	s15 =	smov.u32 s12;
	s12 =	sadd.s32 $0x10, s12;
	v0 =	vld [tilespmem:s14+$0x0];
	_ =	sdelay $0x4  }
0x4e: {  	v1 =	vshll.u32 v0, $0x3  }
0x4f: {  	v0 =	vand.u32 $0x7F, v0;
	v1 =	vand.u32 $0xFFFFFC00, v1  }
0x50: {  	v0 =	vor.u32 v0, v1;
	_ =	sdelay $0x4  }
0x51: {  	v1 =	vld.idx.msk [tilespmem:v0+s7+$0x0], $0xffff;
	_ =	sdelay $0x1  }
0x52: {  	v2 =	vor.u32 $0x80, v0;
	_ =	sdelay $0x1  }
0x53: {  	s16 =	sand.u32 $0x1C00, s13;
	s11 =	sand.u32 $0x70, s15  }
0x54: {  	s11 =	sor.u32 s11, s16  }
0x55: {  	[tilespmem:s11+$0x4400] =	vst v1  }
0x56: {  	v1 =	vld.idx.msk [tilespmem:v2+s7+$0x0], $0xffff;
	_ =	sdelay $0x1  }
0x57: {  	v2 =	vor.u32 $0x100, v0;
	_ =	sdelay $0x3  }
0x58: {  	[tilespmem:s11+$0x4480] =	vst v1  }
0x59: {  	v1 =	vld.idx.msk [tilespmem:v2+s7+$0x0], $0xffff;
	_ =	sdelay $0x1  }
0x5a: {  	v2 =	vor.u32 $0x180, v0;
	_ =	sdelay $0x3  }
0x5b: {  	[tilespmem:s11+$0x4500] =	vst v1  }
0x5c: {  	v1 =	vld.idx.msk [tilespmem:v2+s7+$0x0], $0xffff;
	_ =	sdelay $0x1  }
0x5d: {  	v2 =	vor.u32 $0x200, v0;
	_ =	sdelay $0x3  }
0x5e: {  	[tilespmem:s11+$0x4580] =	vst v1  }
0x5f: {  	v1 =	vld.idx.msk [tilespmem:v2+s7+$0x0], $0xffff;
	_ =	sdelay $0x1  }
0x60: {  	v2 =	vor.u32 $0x280, v0;
	_ =	sdelay $0x3  }
0x61: {  	[tilespmem:s11+$0x4600] =	vst v1  }
0x62: {  	v1 =	vld.idx.msk [tilespmem:v2+s7+$0x0], $0xffff;
	_ =	sdelay $0x1  }
0x63: {  	v2 =	vor.u32 $0x300, v0;
	_ =	sdelay $0x3  }
0x64: {  	[tilespmem:s11+$0x4680] =	vst v1  }
0x65: {  	v1 =	vld.idx.msk [tilespmem:v2+s7+$0x0], $0xffff;
	_ =	sdelay $0x1  }
0x66: {  	v2 =	vor.u32 $0x380, v0;
	_ =	sdelay $0x3  }
0x67: {  	[tilespmem:s11+$0x4700] =	vst v1  }
0x68: {  	v1 =	vld.idx.msk [tilespmem:v2+s7+$0x0], $0xffff;
	_ =	sdelay $0x1  }
0x69: {  	v2 =	vadd.s32 $0x2000, v0;
	_ =	sdelay $0x1  }
0x6a: {  	s15 =	sor.u32 s13, s15  }
0x6b: {  	s15 =	sor.u32 $0x380, s15  }
0x6c: {  	[tilespmem:s15+$0x4400] =	vst v1  }
0x6d: {  	v1 =	vld.idx.msk [tilespmem:v2+s7+$0x0], $0xffff;
	_ =	sdelay $0x1  }
0x6e: {  	v2 =	vadd.s32 $0x2080, v0;
	_ =	sdelay $0x3  }
0x6f: {  	[tilespmem:s11+$0x6400] =	vst v1  }
0x70: {  	v1 =	vld.idx.msk [tilespmem:v2+s7+$0x0], $0xffff;
	_ =	sdelay $0x1  }
0x71: {  	v2 =	vadd.s32 $0x2100, v0;
	_ =	sdelay $0x3  }
0x72: {  	[tilespmem:s11+$0x6480] =	vst v1  }
0x73: {  	v1 =	vld.idx.msk [tilespmem:v2+s7+$0x0], $0xffff;
	_ =	sdelay $0x1  }
0x74: {  	v2 =	vadd.s32 $0x2180, v0;
	_ =	sdelay $0x3  }
0x75: {  	[tilespmem:s11+$0x6500] =	vst v1  }
0x76: {  	v1 =	vld.idx.msk [tilespmem:v2+s7+$0x0], $0xffff;
	_ =	sdelay $0x1  }
0x77: {  	v2 =	vadd.s32 $0x2200, v0;
	_ =	sdelay $0x3  }
0x78: {  	[tilespmem:s11+$0x6580] =	vst v1  }
0x79: {  	v1 =	vld.idx.msk [tilespmem:v2+s7+$0x0], $0xffff;
	_ =	sdelay $0x1  }
0x7a: {  	v2 =	vadd.s32 $0x2280, v0;
	_ =	sdelay $0x3  }
0x7b: {  	[tilespmem:s11+$0x6600] =	vst v1  }
0x7c: {  	v1 =	vld.idx.msk [tilespmem:v2+s7+$0x0], $0xffff;
	_ =	sdelay $0x1  }
0x7d: {  	v2 =	vadd.s32 $0x2300, v0;
	_ =	sdelay $0x3  }
0x7e: {  	[tilespmem:s11+$0x6680] =	vst v1  }
0x7f: {  	v1 =	vld.idx.msk [tilespmem:v2+s7+$0x0], $0xffff;
	_ =	sdelay $0x1  }
0x80: {  	v0 =	vadd.s32 $0x2380, v0  }
.Ltmp0:
0x81: {  	(pc) =	sbr.rel @p0 .LBB2_2-.Ltmp0, $3  }
0x82: {  	_ =	sdelay $0x1  }
0x83: {  	[tilespmem:s11+$0x6700] =	vst v1  }
0x84: {  	v0 =	vld.idx.msk [tilespmem:v0+s7+$0x0], $0xffff  }
0x85: {  	_ =	sdelay $0x1  }
0x86: {  	s10 =	sadd.s32 $0x1, s10  }
0x87: {  	p0 =	sne.s32 s10, s6  }
.Ltmp1:
0x88: {  	[tilespmem:s11+$0x6780] =	vst v0;
	(pc) =	sbr.rel @p0 .LBB2_1-.Ltmp1, $4  }
0x89: {  	[hbm4b:s5+s2] =	stream.linear.scatter [tilespmem:s9], [sflag:$0x1], $0x4000, $0x38;
	[tilespmem:$0x8400] =	vst v63  }
0x8a: {  	_ =	swait.ge [sflag:s8], $0x4000  }
0x8b: {  	[sflag:s8] =	ssyncset.done $0x0  }
0x8c: {  	[sflag:s8] =	ssyncadd.s32 $0xFFFFC000  }
0x8d: {  	_ =	sfence.sel $0x180000  }
0x8e: {  	[bflag:$0x0] =	sbarrier.arrive $0xFFFF  }
0x8f: {  	p0 =	sne.s32 s1, $0x0;
	_ =	strace $0x9000004D  }
0x90: {  	s0 =	sadd.s32 @!p0 $0x100000, s0;
	[bflag:$0x2] =	sbarrier.arrive $0xFFFF  }
0x91: {  	[sflag:s0] =	ssyncadd.tile.s32 @!p0 $0x1;
	_ =	shalt  }
.Lfunc_end2:
_tile_overlayer_lowered:
.L_overlay_start_2:
0x92: {  	(tag) =	ssettag $0x2  }
0x93: {  	s0 =	rddreg [dreg:$0x0];
	s2 =	stileid.u32  }
0x94: {  	s1 =	rddreg [dreg:$0x1];
	p0 =	sne.s32 s2, $0x0  }
0x95: {  	s3 =	rddreg [dreg:$0x2];
	[bflag:$0x3] =	sbarrier.arrive $0xFFFF;
	s2 =	simm.s32 @!p0 $0x1C01  }
0x96: {  	[timem:s3], [sflag:s2] =	dma.local @!p0 [hbm:s0], s1  }
0x97: {  	s0 =	simm.s32 @!p0 $0x1  }
0x98: {  	_ =	swait.ge @!p0 [sflag:s0], s1  }
0x99: {  	s1 =	ssub.s32 @!p0 $0x0, s1;
	[sflag:s0] =	ssyncset.done @!p0 $0x0  }
0x9a: {  	[sflag:s0] =	ssyncadd.s32 @!p0 s1  }
0x9b: {  	[bflag:$0x3] =	sbarrier.arrive $0xFFFF  }
0x9c: {  	_ =	shalt  }

</sc_bundles>
